<compile_context>
chip_gen: v7x
topology: tpu7x:2x2x1
jax: 0.10.2.dev20260603
libtpu: 0.0.44.dev20260713+nightly
codegen_flags: <defaults>
</compile_context>

<pallas_src>
import functools
import jax
import jax.numpy as jnp
from jax import lax
from jax.experimental import pallas as pl
from jax.experimental.pallas import tpu as pltpu, tpu_sc as plsc

_NC = 2
_NS = 16
_NW = _NC * _NS
_LANES = 16
_CR = 8
_CC = 2048
_NBUF = 2


def _sc_add(nrows, ncols):
    rows_per_w = nrows // _NW
    col_chunks = ncols // _CC
    nchunks = (rows_per_w // _CR) * col_chunks
    mesh = plsc.VectorSubcoreMesh(core_axis_name="c", subcore_axis_name="s")

    @functools.partial(
        pl.kernel,
        out_type=jax.ShapeDtypeStruct((nrows, ncols), jnp.float32),
        mesh=mesh,
        scratch_types=[
            [pltpu.VMEM((_CR, _CC), jnp.float32) for _ in range(_NBUF)],
            [pltpu.VMEM((_CR, _CC), jnp.float32) for _ in range(_NBUF)],
            [pltpu.VMEM((_CR, _CC), jnp.float32) for _ in range(_NBUF)],
            [pltpu.VMEM_SHARED((_NS * _CR, _CC), jnp.float32) for _ in range(_NBUF)],
            [pltpu.SemaphoreType.DMA for _ in range(_NBUF)],
            [pltpu.SemaphoreType.DMA for _ in range(_NBUF)],
            [pltpu.SemaphoreType.DMA for _ in range(_NBUF)],
            [pltpu.SemaphoreType.DMA for _ in range(_NBUF)],
        ],
        compiler_params=pltpu.CompilerParams(use_tc_tiling_on_sc=True),
    )
    def k(x_hbm, p_hbm, o_hbm, bufx, bufp, bufo, spm, sx, sp, so1, so2):
        sid = lax.axis_index("s")
        wid = sid * _NC + lax.axis_index("c")
        row_base = wid * rows_per_w

        def slc(g):
            r0 = row_base + (g // col_chunks) * _CR
            c0 = (g % col_chunks) * _CC
            return (pl.ds(r0, _CR), pl.ds(c0, _CC))

        def load(g, b):
            s = slc(g)
            pltpu.async_copy(x_hbm.at[s], bufx[b], sx[b])
            pltpu.async_copy(p_hbm.at[s], bufp[b], sp[b])

        def wait_load(g, b):
            s = slc(g)
            pltpu.make_async_copy(x_hbm.at[s], bufx[b], sx[b]).wait()
            pltpu.make_async_copy(p_hbm.at[s], bufp[b], sp[b]).wait()

        def store1(b):
            pltpu.async_copy(bufo[b], spm[b].at[pl.ds(sid * _CR, _CR), :], so1[b])

        def wait_store1(b):
            pltpu.make_async_copy(bufo[b], spm[b].at[pl.ds(sid * _CR, _CR), :], so1[b]).wait()

        def store2(g, b):
            pltpu.async_copy(spm[b].at[pl.ds(sid * _CR, _CR), :], o_hbm.at[slc(g)], so2[b])

        def wait_store2(g, b):
            pltpu.make_async_copy(spm[b].at[pl.ds(sid * _CR, _CR), :], o_hbm.at[slc(g)], so2[b]).wait()

        for b in range(_NBUF):
            load(b, b)

        @pl.loop(0, nchunks // _NBUF)
        def trip(t):
            for b in range(_NBUF):
                g = t * _NBUF + b
                ob = 1 - b
                wait_load(g, b)

                def drain_other():
                    wait_store1(ob)
                    store2(g - 1, ob)
                if b == 0:
                    pl.when(t > 0)(drain_other)
                else:
                    drain_other()

                def add_one(v):
                    s = pl.ds(v * _LANES, _LANES)
                    for r in range(_CR):
                        bufo[b][r, s] = bufx[b][r, s] + bufp[b][r, s]

                plsc.parallel_loop(0, _CC // _LANES, unroll=2)(add_one)

                @pl.when(g + _NBUF < nchunks)
                def _():
                    load(g + _NBUF, b)

                @pl.when(t > 0)
                def _():
                    wait_store2(g - _NBUF, b)

                store1(b)

        wait_store1(_NBUF - 1)
        store2(nchunks - 1, _NBUF - 1)
        for b in range(_NBUF):
            wait_store2(nchunks - _NBUF + b, b)

    return k


def kernel(x, pos_table):
    seq_len, d_model = x.shape
    return _sc_add(seq_len, d_model)(x, pos_table[:seq_len])

# --- scband reference (transcript-rebuilt; emitter-appended) ---
"""Pipeline reference for scband-position-embedding-37632503447939 (READ-ONLY COPY).

The authoritative reference and input builder live on the scoring server;
editing this copy changes nothing except your own understanding.
"""

import jax, jax.numpy as jnp
import numpy as np

SEQ_LEN = 8192
D_MODEL = 4096
MAX_LEN = 8192

def setup_inputs(seed: int = 0) -> dict:
    key = jax.random.key(seed)
    k1, k2 = jax.random.split(key)
    x = jax.random.normal(k1, (SEQ_LEN, D_MODEL), dtype=jnp.float32)
    # learned embedding table, nn.Embedding default init ~ N(0,1)
    pos_table = jax.random.normal(k2, (MAX_LEN, D_MODEL), dtype=jnp.float32)
    return {"x": x, "pos_table": pos_table}

def reference(x, pos_table):
    seq_len = x.shape[0]
    positions = jnp.arange(seq_len, dtype=jnp.int32)
    pos_emb = jnp.take(pos_table, positions, axis=0)
    return x + pos_emb

if __name__ == "__main__":
    import jax
    _d = setup_inputs()
    print(jax.jit(kernel)(*tuple(_d.values())))

</pallas_src>

<mosaic_0001>
#map = affine_map<(d0, d1) -> (0, 0)>
module attributes {stable_mosaic.version = 14 : i64} {
  func.func @k(%arg0: i32, %arg1: i32, %arg2: memref<8192x4096xf32, #tpu.memory_space<hbm>>, %arg3: memref<8192x4096xf32, #tpu.memory_space<hbm>>, %arg4: memref<8192x4096xf32, #tpu.memory_space<hbm>>, %arg5: memref<8x2048xf32, #tpu.memory_space<vmem>>, %arg6: memref<8x2048xf32, #tpu.memory_space<vmem>>, %arg7: memref<8x2048xf32, #tpu.memory_space<vmem>>, %arg8: memref<8x2048xf32, #tpu.memory_space<vmem>>, %arg9: memref<8x2048xf32, #tpu.memory_space<vmem>>, %arg10: memref<8x2048xf32, #tpu.memory_space<vmem>>, %arg11: memref<128x2048xf32, #tpu.memory_space<vmem_shared>>, %arg12: memref<128x2048xf32, #tpu.memory_space<vmem_shared>>, %arg13: memref<!tpu.dma_semaphore, #tpu.memory_space<semaphore_mem>>, %arg14: memref<!tpu.dma_semaphore, #tpu.memory_space<semaphore_mem>>, %arg15: memref<!tpu.dma_semaphore, #tpu.memory_space<semaphore_mem>>, %arg16: memref<!tpu.dma_semaphore, #tpu.memory_space<semaphore_mem>>, %arg17: memref<!tpu.dma_semaphore, #tpu.memory_space<semaphore_mem>>, %arg18: memref<!tpu.dma_semaphore, #tpu.memory_space<semaphore_mem>>, %arg19: memref<!tpu.dma_semaphore, #tpu.memory_space<semaphore_mem>>, %arg20: memref<!tpu.dma_semaphore, #tpu.memory_space<semaphore_mem>>) attributes {dimension_semantics = [#tpu.dimension_semantics<core_parallel>, #tpu.dimension_semantics<subcore_parallel>], iteration_bounds = array<i64: 2, 16>, scalar_prefetch = 0 : i64, scratch_operands = 16 : i64, tpu.core_type = #tpu.core_type<sc_vector_subcore>, window_params = [{transform_indices = #map}, {transform_indices = #map}, {transform_indices = #map}]} {
    %mul3A = arith.constant 2 : i32
    %mul3A_0 = arith.muli %arg1, %mul3A : i32
    %add3A = arith.addi %mul3A_0, %arg0 : i32
    %mul3A_1 = arith.constant 256 : i32
    %mul3A_2 = arith.muli %add3A, %mul3A_1 : i32
    %add3A_3 = arith.constant 0 : i32
    %add3A_4 = arith.addi %mul3A_2, %add3A_3 : i32
    %dma_start3A = arith.constant 0 : i32
    %dma_start3A_5 = tpu.memref_slice %arg2[%add3A_4, %dma_start3A] : memref<8192x4096xf32, #tpu.memory_space<hbm>> -> memref<8x2048xf32, #tpu.memory_space<hbm>>
    %dma_start3A_6 = arith.constant 0 : i32
    %dma_start3A_7 = tpu.memref_slice %arg2[%add3A_4, %dma_start3A_6] : memref<8192x4096xf32, #tpu.memory_space<hbm>> -> memref<8x2048xf32, #tpu.memory_space<hbm>>
    tpu.enqueue_dma source(%dma_start3A_7 : memref<8x2048xf32, #tpu.memory_space<hbm>>) target(%arg5 : memref<8x2048xf32, #tpu.memory_space<vmem>>) target_semaphore(%arg13 : memref<!tpu.dma_semaphore, #tpu.memory_space<semaphore_mem>>)
    %dma_start3A_8 = arith.constant 0 : i32
    %dma_start3A_9 = tpu.memref_slice %arg3[%add3A_4, %dma_start3A_8] : memref<8192x4096xf32, #tpu.memory_space<hbm>> -> memref<8x2048xf32, #tpu.memory_space<hbm>>
    %dma_start3A_10 = arith.constant 0 : i32
    %dma_start3A_11 = tpu.memref_slice %arg3[%add3A_4, %dma_start3A_10] : memref<8192x4096xf32, #tpu.memory_space<hbm>> -> memref<8x2048xf32, #tpu.memory_space<hbm>>
    tpu.enqueue_dma source(%dma_start3A_11 : memref<8x2048xf32, #tpu.memory_space<hbm>>) target(%arg7 : memref<8x2048xf32, #tpu.memory_space<vmem>>) target_semaphore(%arg15 : memref<!tpu.dma_semaphore, #tpu.memory_space<semaphore_mem>>)
    %add3A_12 = arith.constant 0 : i32
    %add3A_13 = arith.addi %mul3A_2, %add3A_12 : i32
    %dma_start3A_14 = arith.constant 2048 : i32
    %dma_start3A_15 = tpu.memref_slice %arg2[%add3A_13, %dma_start3A_14] : memref<8192x4096xf32, #tpu.memory_space<hbm>> -> memref<8x2048xf32, #tpu.memory_space<hbm>>
    %dma_start3A_16 = arith.constant 2048 : i32
    %dma_start3A_17 = tpu.memref_slice %arg2[%add3A_13, %dma_start3A_16] : memref<8192x4096xf32, #tpu.memory_space<hbm>> -> memref<8x2048xf32, #tpu.memory_space<hbm>>
    tpu.enqueue_dma source(%dma_start3A_17 : memref<8x2048xf32, #tpu.memory_space<hbm>>) target(%arg6 : memref<8x2048xf32, #tpu.memory_space<vmem>>) target_semaphore(%arg14 : memref<!tpu.dma_semaphore, #tpu.memory_space<semaphore_mem>>)
    %dma_start3A_18 = arith.constant 2048 : i32
    %dma_start3A_19 = tpu.memref_slice %arg3[%add3A_13, %dma_start3A_18] : memref<8192x4096xf32, #tpu.memory_space<hbm>> -> memref<8x2048xf32, #tpu.memory_space<hbm>>
    %dma_start3A_20 = arith.constant 2048 : i32
    %dma_start3A_21 = tpu.memref_slice %arg3[%add3A_13, %dma_start3A_20] : memref<8192x4096xf32, #tpu.memory_space<hbm>> -> memref<8x2048xf32, #tpu.memory_space<hbm>>
    tpu.enqueue_dma source(%dma_start3A_21 : memref<8x2048xf32, #tpu.memory_space<hbm>>) target(%arg8 : memref<8x2048xf32, #tpu.memory_space<vmem>>) target_semaphore(%arg16 : memref<!tpu.dma_semaphore, #tpu.memory_space<semaphore_mem>>)
    %scan3A = arith.constant 0 : i32
    %scan3A_22 = arith.constant 32 : i32
    %scan3A_23 = arith.addi %scan3A, %scan3A_22 : i32
    %scan3A_24 = arith.constant 1 : i32
    scf.for %scan3A_55 = %scan3A to %scan3A_23 step %scan3A_24  : i32 {
      %mul3A_56 = arith.constant 1 : i32
      %mul3A_57 = arith.muli %scan3A_55, %mul3A_56 : i32
      %add3A_58 = arith.constant 0 : i32
      %add3A_59 = arith.addi %add3A_58, %mul3A_57 : i32
      %mul3A_60 = arith.constant 2 : i32
      %mul3A_61 = arith.muli %add3A_59, %mul3A_60 : i32
      %add3A_62 = arith.constant 0 : i32
      %add3A_63 = arith.addi %mul3A_61, %add3A_62 : i32
      %jit3A = arith.constant 2 : i32
      %div3A = arith.divsi %add3A_63, %jit3A : i32
      %sign3A = arith.constant 0 : i32
      %sign3A_64 = arith.cmpi sgt, %add3A_63, %sign3A : i32
      %sign3A_65 = arith.extui %sign3A_64 : i1 to i32
      %sign3A_66 = arith.constant 0 : i32
      %sign3A_67 = arith.cmpi slt, %add3A_63, %sign3A_66 : i32
      %sign3A_68 = arith.extui %sign3A_67 : i1 to i32
      %sign3A_69 = arith.subi %sign3A_65, %sign3A_68 : i32
      %sign3A_70 = arith.constant 0 : i32
      %sign3A_71 = arith.cmpi sgt, %jit3A, %sign3A_70 : i32
      %sign3A_72 = arith.extui %sign3A_71 : i1 to i32
      %sign3A_73 = arith.constant 0 : i32
      %sign3A_74 = arith.cmpi slt, %jit3A, %sign3A_73 : i32
      %sign3A_75 = arith.extui %sign3A_74 : i1 to i32
      %sign3A_76 = arith.subi %sign3A_72, %sign3A_75 : i32
      %ne3A = arith.cmpi ne, %sign3A_69, %sign3A_76 : i32
      %rem3A = arith.remsi %add3A_63, %jit3A : i32
      %ne3A_77 = arith.constant 0 : i32
      %ne3A_78 = arith.cmpi ne, %rem3A, %ne3A_77 : i32
      %and3A = arith.andi %ne3A, %ne3A_78 : i1
      %sub3A = arith.constant 1 : i32
      %sub3A_79 = arith.subi %div3A, %sub3A : i32
      %select_n3A = arith.select %and3A, %sub3A_79, %div3A : i32
      %mul3A_80 = arith.constant 8 : i32
      %mul3A_81 = arith.muli %select_n3A, %mul3A_80 : i32
      %add3A_82 = arith.addi %mul3A_2, %mul3A_81 : i32
      %jit3A_83 = arith.constant 2 : i32
      %eq3A = arith.constant 0 : i32
      %eq3A_84 = arith.cmpi eq, %jit3A_83, %eq3A : i32
      %jit3A_85 = arith.constant 1 : i32
      %select_n3A_86 = arith.select %eq3A_84, %jit3A_85, %jit3A_83 : i32
      %rem3A_87 = arith.remsi %add3A_63, %select_n3A_86 : i32
      %ne3A_88 = arith.constant 0 : i32
      %ne3A_89 = arith.cmpi ne, %rem3A_87, %ne3A_88 : i32
      %lt3A = arith.constant 0 : i32
      %lt3A_90 = arith.cmpi slt, %rem3A_87, %lt3A : i32
      %lt3A_91 = arith.constant 0 : i32
      %lt3A_92 = arith.cmpi slt, %select_n3A_86, %lt3A_91 : i32
      %ne3A_93 = arith.xori %lt3A_90, %lt3A_92 : i1
      %and3A_94 = arith.andi %ne3A_93, %ne3A_89 : i1
      %add3A_95 = arith.addi %rem3A_87, %select_n3A_86 : i32
      %select_n3A_96 = arith.select %and3A_94, %add3A_95, %rem3A_87 : i32
      %mul3A_97 = arith.constant 2048 : i32
      %mul3A_98 = arith.muli %select_n3A_96, %mul3A_97 : i32
      %dma_wait3A_99 = tpu.memref_slice %arg2[%add3A_82, %mul3A_98] : memref<8192x4096xf32, #tpu.memory_space<hbm>> -> memref<8x2048xf32, #tpu.memory_space<hbm>>
      %dma_wait3A_100 = tpu.memref_slice %arg2[%add3A_82, %mul3A_98] : memref<8192x4096xf32, #tpu.memory_space<hbm>> -> memref<8x2048xf32, #tpu.memory_space<hbm>>
      tpu.wait_dma2 semaphore(%arg13 : memref<!tpu.dma_semaphore, #tpu.memory_space<semaphore_mem>>) src(%dma_wait3A_100 : memref<8x2048xf32, #tpu.memory_space<hbm>>) dst(%arg5 : memref<8x2048xf32, #tpu.memory_space<vmem>>)
      %dma_wait3A_101 = tpu.memref_slice %arg3[%add3A_82, %mul3A_98] : memref<8192x4096xf32, #tpu.memory_space<hbm>> -> memref<8x2048xf32, #tpu.memory_space<hbm>>
      %dma_wait3A_102 = tpu.memref_slice %arg3[%add3A_82, %mul3A_98] : memref<8192x4096xf32, #tpu.memory_space<hbm>> -> memref<8x2048xf32, #tpu.memory_space<hbm>>
      tpu.wait_dma2 semaphore(%arg15 : memref<!tpu.dma_semaphore, #tpu.memory_space<semaphore_mem>>) src(%dma_wait3A_102 : memref<8x2048xf32, #tpu.memory_space<hbm>>) dst(%arg7 : memref<8x2048xf32, #tpu.memory_space<vmem>>)
      %gt3A = arith.constant 0 : i32
      %gt3A_103 = arith.cmpi sgt, %add3A_59, %gt3A : i32
      %convert_element_type3A = arith.extui %gt3A_103 : i1 to i32
      %cond3A = arith.constant 0 : i32
      %cond3A_104 = arith.cmpi ne, %convert_element_type3A, %cond3A : i32
      scf.if %cond3A_104 {
        %mul3A_257 = arith.constant 8 : i32
        %mul3A_258 = arith.muli %arg1, %mul3A_257 : i32
        %dma_wait3A_259 = arith.constant 0 : i32
        %dma_wait3A_260 = tpu.memref_slice %arg12[%mul3A_258, %dma_wait3A_259] : memref<128x2048xf32, #tpu.memory_space<vmem_shared>> -> memref<8x2048xf32, #tpu.memory_space<vmem_shared>>
        %dma_wait3A_261 = arith.constant 0 : i32
        %dma_wait3A_262 = tpu.memref_slice %arg12[%mul3A_258, %dma_wait3A_261] : memref<128x2048xf32, #tpu.memory_space<vmem_shared>> -> memref<8x2048xf32, #tpu.memory_space<vmem_shared>>
        tpu.wait_dma2 semaphore(%arg18 : memref<!tpu.dma_semaphore, #tpu.memory_space<semaphore_mem>>) src(%arg10 : memref<8x2048xf32, #tpu.memory_space<vmem>>) dst(%dma_wait3A_262 : memref<8x2048xf32, #tpu.memory_space<vmem_shared>>)
        %sub3A_263 = arith.constant 1 : i32
        %sub3A_264 = arith.subi %add3A_63, %sub3A_263 : i32
        %mul3A_265 = arith.constant 8 : i32
        %mul3A_266 = arith.muli %arg1, %mul3A_265 : i32
        %jit3A_267 = arith.constant 2 : i32
        %div3A_268 = arith.divsi %sub3A_264, %jit3A_267 : i32
        %sign3A_269 = arith.constant 0 : i32
        %sign3A_270 = arith.cmpi sgt, %sub3A_264, %sign3A_269 : i32
        %sign3A_271 = arith.extui %sign3A_270 : i1 to i32
        %sign3A_272 = arith.constant 0 : i32
        %sign3A_273 = arith.cmpi slt, %sub3A_264, %sign3A_272 : i32
        %sign3A_274 = arith.extui %sign3A_273 : i1 to i32
        %sign3A_275 = arith.subi %sign3A_271, %sign3A_274 : i32
        %sign3A_276 = arith.constant 0 : i32
        %sign3A_277 = arith.cmpi sgt, %jit3A_267, %sign3A_276 : i32
        %sign3A_278 = arith.extui %sign3A_277 : i1 to i32
        %sign3A_279 = arith.constant 0 : i32
        %sign3A_280 = arith.cmpi slt, %jit3A_267, %sign3A_279 : i32
        %sign3A_281 = arith.extui %sign3A_280 : i1 to i32
        %sign3A_282 = arith.subi %sign3A_278, %sign3A_281 : i32
        %ne3A_283 = arith.cmpi ne, %sign3A_275, %sign3A_282 : i32
        %rem3A_284 = arith.remsi %sub3A_264, %jit3A_267 : i32
        %ne3A_285 = arith.constant 0 : i32
        %ne3A_286 = arith.cmpi ne, %rem3A_284, %ne3A_285 : i32
        %and3A_287 = arith.andi %ne3A_283, %ne3A_286 : i1
        %sub3A_288 = arith.constant 1 : i32
        %sub3A_289 = arith.subi %div3A_268, %sub3A_288 : i32
        %select_n3A_290 = arith.select %and3A_287, %sub3A_289, %div3A_268 : i32
        %mul3A_291 = arith.constant 8 : i32
        %mul3A_292 = arith.muli %select_n3A_290, %mul3A_291 : i32
        %add3A_293 = arith.addi %mul3A_2, %mul3A_292 : i32
        %jit3A_294 = arith.constant 2 : i32
        %eq3A_295 = arith.constant 0 : i32
        %eq3A_296 = arith.cmpi eq, %jit3A_294, %eq3A_295 : i32
        %jit3A_297 = arith.constant 1 : i32
        %select_n3A_298 = arith.select %eq3A_296, %jit3A_297, %jit3A_294 : i32
        %rem3A_299 = arith.remsi %sub3A_264, %select_n3A_298 : i32
        %ne3A_300 = arith.constant 0 : i32
        %ne3A_301 = arith.cmpi ne, %rem3A_299, %ne3A_300 : i32
        %lt3A_302 = arith.constant 0 : i32
        %lt3A_303 = arith.cmpi slt, %rem3A_299, %lt3A_302 : i32
        %lt3A_304 = arith.constant 0 : i32
        %lt3A_305 = arith.cmpi slt, %select_n3A_298, %lt3A_304 : i32
        %ne3A_306 = arith.xori %lt3A_303, %lt3A_305 : i1
        %and3A_307 = arith.andi %ne3A_306, %ne3A_301 : i1
        %add3A_308 = arith.addi %rem3A_299, %select_n3A_298 : i32
        %select_n3A_309 = arith.select %and3A_307, %add3A_308, %rem3A_299 : i32
        %mul3A_310 = arith.constant 2048 : i32
        %mul3A_311 = arith.muli %select_n3A_309, %mul3A_310 : i32
        %dma_start3A_312 = tpu.memref_slice %arg4[%add3A_293, %mul3A_311] : memref<8192x4096xf32, #tpu.memory_space<hbm>> -> memref<8x2048xf32, #tpu.memory_space<hbm>>
        %dma_start3A_313 = arith.constant 0 : i32
        %dma_start3A_314 = tpu.memref_slice %arg12[%mul3A_266, %dma_start3A_313] : memref<128x2048xf32, #tpu.memory_space<vmem_shared>> -> memref<8x2048xf32, #tpu.memory_space<vmem_shared>>
        tpu.enqueue_dma source(%dma_start3A_314 : memref<8x2048xf32, #tpu.memory_space<vmem_shared>>) target(%dma_start3A_312 : memref<8x2048xf32, #tpu.memory_space<hbm>>) target_semaphore(%arg20 : memref<!tpu.dma_semaphore, #tpu.memory_space<semaphore_mem>>)
      } else {
      }
      %parallel_loop3A = arith.constant 0 : i32
      %parallel_loop3A_105 = arith.constant 128 : i32
      %parallel_loop3A_106 = arith.constant 1 : i32
      scf.for %parallel_loop3A_257 = %parallel_loop3A to %parallel_loop3A_105 step %parallel_loop3A_106  : i32 {
        %parallel_loop3A_258 = arith.constant 16 : i32
        %parallel_loop3A_259 = arith.muli %parallel_loop3A_257, %parallel_loop3A_258 : i32
        %parallel_loop3A_260 = arith.constant 0 : i32
        %parallel_loop3A_261 = arith.index_cast %parallel_loop3A_260 : i32 to index
        %parallel_loop3A_262 = arith.index_cast %parallel_loop3A_259 : i32 to index
        %parallel_loop3A_263 = tpu.vector_load %arg5[%parallel_loop3A_261, %parallel_loop3A_262] {strides = array<i32>} : memref<8x2048xf32, #tpu.memory_space<vmem>>, vector<1x16xf32>,
        %parallel_loop3A_264 = vector.shape_cast %parallel_loop3A_263 : vector<1x16xf32> to vector<16xf32>
        %parallel_loop3A_265 = arith.constant 0 : i32
        %parallel_loop3A_266 = arith.index_cast %parallel_loop3A_265 : i32 to index
        %parallel_loop3A_267 = arith.index_cast %parallel_loop3A_259 : i32 to index
        %parallel_loop3A_268 = tpu.vector_load %arg7[%parallel_loop3A_266, %parallel_loop3A_267] {strides = array<i32>} : memref<8x2048xf32, #tpu.memory_space<vmem>>, vector<1x16xf32>,
        %parallel_loop3A_269 = vector.shape_cast %parallel_loop3A_268 : vector<1x16xf32> to vector<16xf32>
        %parallel_loop3A_270 = arith.addf %parallel_loop3A_264, %parallel_loop3A_269 : vector<16xf32>
        %parallel_loop3A_271 = arith.constant 0 : i32
        %parallel_loop3A_272 = arith.index_cast %parallel_loop3A_271 : i32 to index
        %parallel_loop3A_273 = arith.index_cast %parallel_loop3A_259 : i32 to index
        %parallel_loop3A_274 = tpu.vector_load %arg9[%parallel_loop3A_272, %parallel_loop3A_273] {strides = array<i32>} : memref<8x2048xf32, #tpu.memory_space<vmem>>, vector<1x16xf32>,
        %parallel_loop3A_275 = vector.shape_cast %parallel_loop3A_274 : vector<1x16xf32> to vector<16xf32>
        %parallel_loop3A_276 = vector.shape_cast %parallel_loop3A_270 : vector<16xf32> to vector<1x16xf32>
        tpu.vector_store %arg9[%parallel_loop3A_272, %parallel_loop3A_273], %parallel_loop3A_276 {strides = array<i32>} : memref<8x2048xf32, #tpu.memory_space<vmem>>, vector<1x16xf32>,
        %parallel_loop3A_277 = arith.constant 1 : i32
        %parallel_loop3A_278 = arith.index_cast %parallel_loop3A_277 : i32 to index
        %parallel_loop3A_279 = arith.index_cast %parallel_loop3A_259 : i32 to index
        %parallel_loop3A_280 = tpu.vector_load %arg5[%parallel_loop3A_278, %parallel_loop3A_279] {strides = array<i32>} : memref<8x2048xf32, #tpu.memory_space<vmem>>, vector<1x16xf32>,
        %parallel_loop3A_281 = vector.shape_cast %parallel_loop3A_280 : vector<1x16xf32> to vector<16xf32>
        %parallel_loop3A_282 = arith.constant 1 : i32
        %parallel_loop3A_283 = arith.index_cast %parallel_loop3A_282 : i32 to index
        %parallel_loop3A_284 = arith.index_cast %parallel_loop3A_259 : i32 to index
        %parallel_loop3A_285 = tpu.vector_load %arg7[%parallel_loop3A_283, %parallel_loop3A_284] {strides = array<i32>} : memref<8x2048xf32, #tpu.memory_space<vmem>>, vector<1x16xf32>,
        %parallel_loop3A_286 = vector.shape_cast %parallel_loop3A_285 : vector<1x16xf32> to vector<16xf32>
        %parallel_loop3A_287 = arith.addf %parallel_loop3A_281, %parallel_loop3A_286 : vector<16xf32>
        %parallel_loop3A_288 = arith.constant 1 : i32
        %parallel_loop3A_289 = arith.index_cast %parallel_loop3A_288 : i32 to index
        %parallel_loop3A_290 = arith.index_cast %parallel_loop3A_259 : i32 to index
        %parallel_loop3A_291 = tpu.vector_load %arg9[%parallel_loop3A_289, %parallel_loop3A_290] {strides = array<i32>} : memref<8x2048xf32, #tpu.memory_space<vmem>>, vector<1x16xf32>,
        %parallel_loop3A_292 = vector.shape_cast %parallel_loop3A_291 : vector<1x16xf32> to vector<16xf32>
        %parallel_loop3A_293 = vector.shape_cast %parallel_loop3A_287 : vector<16xf32> to vector<1x16xf32>
        tpu.vector_store %arg9[%parallel_loop3A_289, %parallel_loop3A_290], %parallel_loop3A_293 {strides = array<i32>} : memref<8x2048xf32, #tpu.memory_space<vmem>>, vector<1x16xf32>,
        %parallel_loop3A_294 = arith.constant 2 : i32
        %parallel_loop3A_295 = arith.index_cast %parallel_loop3A_294 : i32 to index
        %parallel_loop3A_296 = arith.index_cast %parallel_loop3A_259 : i32 to index
        %parallel_loop3A_297 = tpu.vector_load %arg5[%parallel_loop3A_295, %parallel_loop3A_296] {strides = array<i32>} : memref<8x2048xf32, #tpu.memory_space<vmem>>, vector<1x16xf32>,
        %parallel_loop3A_298 = vector.shape_cast %parallel_loop3A_297 : vector<1x16xf32> to vector<16xf32>
        %parallel_loop3A_299 = arith.constant 2 : i32
        %parallel_loop3A_300 = arith.index_cast %parallel_loop3A_299 : i32 to index
        %parallel_loop3A_301 = arith.index_cast %parallel_loop3A_259 : i32 to index
        %parallel_loop3A_302 = tpu.vector_load %arg7[%parallel_loop3A_300, %parallel_loop3A_301] {strides = array<i32>} : memref<8x2048xf32, #tpu.memory_space<vmem>>, vector<1x16xf32>,
        %parallel_loop3A_303 = vector.shape_cast %parallel_loop3A_302 : vector<1x16xf32> to vector<16xf32>
        %parallel_loop3A_304 = arith.addf %parallel_loop3A_298, %parallel_loop3A_303 : vector<16xf32>
        %parallel_loop3A_305 = arith.constant 2 : i32
        %parallel_loop3A_306 = arith.index_cast %parallel_loop3A_305 : i32 to index
        %parallel_loop3A_307 = arith.index_cast %parallel_loop3A_259 : i32 to index
        %parallel_loop3A_308 = tpu.vector_load %arg9[%parallel_loop3A_306, %parallel_loop3A_307] {strides = array<i32>} : memref<8x2048xf32, #tpu.memory_space<vmem>>, vector<1x16xf32>,
        %parallel_loop3A_309 = vector.shape_cast %parallel_loop3A_308 : vector<1x16xf32> to vector<16xf32>
        %parallel_loop3A_310 = vector.shape_cast %parallel_loop3A_304 : vector<16xf32> to vector<1x16xf32>
        tpu.vector_store %arg9[%parallel_loop3A_306, %parallel_loop3A_307], %parallel_loop3A_310 {strides = array<i32>} : memref<8x2048xf32, #tpu.memory_space<vmem>>, vector<1x16xf32>,
        %parallel_loop3A_311 = arith.constant 3 : i32
        %parallel_loop3A_312 = arith.index_cast %parallel_loop3A_311 : i32 to index
        %parallel_loop3A_313 = arith.index_cast %parallel_loop3A_259 : i32 to index
        %parallel_loop3A_314 = tpu.vector_load %arg5[%parallel_loop3A_312, %parallel_loop3A_313] {strides = array<i32>} : memref<8x2048xf32, #tpu.memory_space<vmem>>, vector<1x16xf32>,
        %parallel_loop3A_315 = vector.shape_cast %parallel_loop3A_314 : vector<1x16xf32> to vector<16xf32>
        %parallel_loop3A_316 = arith.constant 3 : i32
        %parallel_loop3A_317 = arith.index_cast %parallel_loop3A_316 : i32 to index
        %parallel_loop3A_318 = arith.index_cast %parallel_loop3A_259 : i32 to index
        %parallel_loop3A_319 = tpu.vector_load %arg7[%parallel_loop3A_317, %parallel_loop3A_318] {strides = array<i32>} : memref<8x2048xf32, #tpu.memory_space<vmem>>, vector<1x16xf32>,
        %parallel_loop3A_320 = vector.shape_cast %parallel_loop3A_319 : vector<1x16xf32> to vector<16xf32>
        %parallel_loop3A_321 = arith.addf %parallel_loop3A_315, %parallel_loop3A_320 : vector<16xf32>
        %parallel_loop3A_322 = arith.constant 3 : i32
        %parallel_loop3A_323 = arith.index_cast %parallel_loop3A_322 : i32 to index
        %parallel_loop3A_324 = arith.index_cast %parallel_loop3A_259 : i32 to index
        %parallel_loop3A_325 = tpu.vector_load %arg9[%parallel_loop3A_323, %parallel_loop3A_324] {strides = array<i32>} : memref<8x2048xf32, #tpu.memory_space<vmem>>, vector<1x16xf32>,
        %parallel_loop3A_326 = vector.shape_cast %parallel_loop3A_325 : vector<1x16xf32> to vector<16xf32>
        %parallel_loop3A_327 = vector.shape_cast %parallel_loop3A_321 : vector<16xf32> to vector<1x16xf32>
        tpu.vector_store %arg9[%parallel_loop3A_323, %parallel_loop3A_324], %parallel_loop3A_327 {strides = array<i32>} : memref<8x2048xf32, #tpu.memory_space<vmem>>, vector<1x16xf32>,
        %parallel_loop3A_328 = arith.constant 4 : i32
        %parallel_loop3A_329 = arith.index_cast %parallel_loop3A_328 : i32 to index
        %parallel_loop3A_330 = arith.index_cast %parallel_loop3A_259 : i32 to index
        %parallel_loop3A_331 = tpu.vector_load %arg5[%parallel_loop3A_329, %parallel_loop3A_330] {strides = array<i32>} : memref<8x2048xf32, #tpu.memory_space<vmem>>, vector<1x16xf32>,
        %parallel_loop3A_332 = vector.shape_cast %parallel_loop3A_331 : vector<1x16xf32> to vector<16xf32>
        %parallel_loop3A_333 = arith.constant 4 : i32
        %parallel_loop3A_334 = arith.index_cast %parallel_loop3A_333 : i32 to index
        %parallel_loop3A_335 = arith.index_cast %parallel_loop3A_259 : i32 to index
        %parallel_loop3A_336 = tpu.vector_load %arg7[%parallel_loop3A_334, %parallel_loop3A_335] {strides = array<i32>} : memref<8x2048xf32, #tpu.memory_space<vmem>>, vector<1x16xf32>,
        %parallel_loop3A_337 = vector.shape_cast %parallel_loop3A_336 : vector<1x16xf32> to vector<16xf32>
        %parallel_loop3A_338 = arith.addf %parallel_loop3A_332, %parallel_loop3A_337 : vector<16xf32>
        %parallel_loop3A_339 = arith.constant 4 : i32
        %parallel_loop3A_340 = arith.index_cast %parallel_loop3A_339 : i32 to index
        %parallel_loop3A_341 = arith.index_cast %parallel_loop3A_259 : i32 to index
        %parallel_loop3A_342 = tpu.vector_load %arg9[%parallel_loop3A_340, %parallel_loop3A_341] {strides = array<i32>} : memref<8x2048xf32, #tpu.memory_space<vmem>>, vector<1x16xf32>,
        %parallel_loop3A_343 = vector.shape_cast %parallel_loop3A_342 : vector<1x16xf32> to vector<16xf32>
        %parallel_loop3A_344 = vector.shape_cast %parallel_loop3A_338 : vector<16xf32> to vector<1x16xf32>
        tpu.vector_store %arg9[%parallel_loop3A_340, %parallel_loop3A_341], %parallel_loop3A_344 {strides = array<i32>} : memref<8x2048xf32, #tpu.memory_space<vmem>>, vector<1x16xf32>,
        %parallel_loop3A_345 = arith.constant 5 : i32
        %parallel_loop3A_346 = arith.index_cast %parallel_loop3A_345 : i32 to index
        %parallel_loop3A_347 = arith.index_cast %parallel_loop3A_259 : i32 to index
        %parallel_loop3A_348 = tpu.vector_load %arg5[%parallel_loop3A_346, %parallel_loop3A_347] {strides = array<i32>} : memref<8x2048xf32, #tpu.memory_space<vmem>>, vector<1x16xf32>,
        %parallel_loop3A_349 = vector.shape_cast %parallel_loop3A_348 : vector<1x16xf32> to vector<16xf32>
        %parallel_loop3A_350 = arith.constant 5 : i32
        %parallel_loop3A_351 = arith.index_cast %parallel_loop3A_350 : i32 to index
        %parallel_loop3A_352 = arith.index_cast %parallel_loop3A_259 : i32 to index
        %parallel_loop3A_353 = tpu.vector_load %arg7[%parallel_loop3A_351, %parallel_loop3A_352] {strides = array<i32>} : memref<8x2048xf32, #tpu.memory_space<vmem>>, vector<1x16xf32>,
        %parallel_loop3A_354 = vector.shape_cast %parallel_loop3A_353 : vector<1x16xf32> to vector<16xf32>
        %parallel_loop3A_355 = arith.addf %parallel_loop3A_349, %parallel_loop3A_354 : vector<16xf32>
        %parallel_loop3A_356 = arith.constant 5 : i32
        %parallel_loop3A_357 = arith.index_cast %parallel_loop3A_356 : i32 to index
        %parallel_loop3A_358 = arith.index_cast %parallel_loop3A_259 : i32 to index
        %parallel_loop3A_359 = tpu.vector_load %arg9[%parallel_loop3A_357, %parallel_loop3A_358] {strides = array<i32>} : memref<8x2048xf32, #tpu.memory_space<vmem>>, vector<1x16xf32>,
        %parallel_loop3A_360 = vector.shape_cast %parallel_loop3A_359 : vector<1x16xf32> to vector<16xf32>
        %parallel_loop3A_361 = vector.shape_cast %parallel_loop3A_355 : vector<16xf32> to vector<1x16xf32>
        tpu.vector_store %arg9[%parallel_loop3A_357, %parallel_loop3A_358], %parallel_loop3A_361 {strides = array<i32>} : memref<8x2048xf32, #tpu.memory_space<vmem>>, vector<1x16xf32>,
        %parallel_loop3A_362 = arith.constant 6 : i32
        %parallel_loop3A_363 = arith.index_cast %parallel_loop3A_362 : i32 to index
        %parallel_loop3A_364 = arith.index_cast %parallel_loop3A_259 : i32 to index
        %parallel_loop3A_365 = tpu.vector_load %arg5[%parallel_loop3A_363, %parallel_loop3A_364] {strides = array<i32>} : memref<8x2048xf32, #tpu.memory_space<vmem>>, vector<1x16xf32>,
        %parallel_loop3A_366 = vector.shape_cast %parallel_loop3A_365 : vector<1x16xf32> to vector<16xf32>
        %parallel_loop3A_367 = arith.constant 6 : i32
        %parallel_loop3A_368 = arith.index_cast %parallel_loop3A_367 : i32 to index
        %parallel_loop3A_369 = arith.index_cast %parallel_loop3A_259 : i32 to index
        %parallel_loop3A_370 = tpu.vector_load %arg7[%parallel_loop3A_368, %parallel_loop3A_369] {strides = array<i32>} : memref<8x2048xf32, #tpu.memory_space<vmem>>, vector<1x16xf32>,
        %parallel_loop3A_371 = vector.shape_cast %parallel_loop3A_370 : vector<1x16xf32> to vector<16xf32>
        %parallel_loop3A_372 = arith.addf %parallel_loop3A_366, %parallel_loop3A_371 : vector<16xf32>
        %parallel_loop3A_373 = arith.constant 6 : i32
        %parallel_loop3A_374 = arith.index_cast %parallel_loop3A_373 : i32 to index
        %parallel_loop3A_375 = arith.index_cast %parallel_loop3A_259 : i32 to index
        %parallel_loop3A_376 = tpu.vector_load %arg9[%parallel_loop3A_374, %parallel_loop3A_375] {strides = array<i32>} : memref<8x2048xf32, #tpu.memory_space<vmem>>, vector<1x16xf32>,
        %parallel_loop3A_377 = vector.shape_cast %parallel_loop3A_376 : vector<1x16xf32> to vector<16xf32>
        %parallel_loop3A_378 = vector.shape_cast %parallel_loop3A_372 : vector<16xf32> to vector<1x16xf32>
        tpu.vector_store %arg9[%parallel_loop3A_374, %parallel_loop3A_375], %parallel_loop3A_378 {strides = array<i32>} : memref<8x2048xf32, #tpu.memory_space<vmem>>, vector<1x16xf32>,
        %parallel_loop3A_379 = arith.constant 7 : i32
        %parallel_loop3A_380 = arith.index_cast %parallel_loop3A_379 : i32 to index
        %parallel_loop3A_381 = arith.index_cast %parallel_loop3A_259 : i32 to index
        %parallel_loop3A_382 = tpu.vector_load %arg5[%parallel_loop3A_380, %parallel_loop3A_381] {strides = array<i32>} : memref<8x2048xf32, #tpu.memory_space<vmem>>, vector<1x16xf32>,
        %parallel_loop3A_383 = vector.shape_cast %parallel_loop3A_382 : vector<1x16xf32> to vector<16xf32>
        %parallel_loop3A_384 = arith.constant 7 : i32
        %parallel_loop3A_385 = arith.index_cast %parallel_loop3A_384 : i32 to index
        %parallel_loop3A_386 = arith.index_cast %parallel_loop3A_259 : i32 to index
        %parallel_loop3A_387 = tpu.vector_load %arg7[%parallel_loop3A_385, %parallel_loop3A_386] {strides = array<i32>} : memref<8x2048xf32, #tpu.memory_space<vmem>>, vector<1x16xf32>,
        %parallel_loop3A_388 = vector.shape_cast %parallel_loop3A_387 : vector<1x16xf32> to vector<16xf32>
        %parallel_loop3A_389 = arith.addf %parallel_loop3A_383, %parallel_loop3A_388 : vector<16xf32>
        %parallel_loop3A_390 = arith.constant 7 : i32
        %parallel_loop3A_391 = arith.index_cast %parallel_loop3A_390 : i32 to index
        %parallel_loop3A_392 = arith.index_cast %parallel_loop3A_259 : i32 to index
        %parallel_loop3A_393 = tpu.vector_load %arg9[%parallel_loop3A_391, %parallel_loop3A_392] {strides = array<i32>} : memref<8x2048xf32, #tpu.memory_space<vmem>>, vector<1x16xf32>,
        %parallel_loop3A_394 = vector.shape_cast %parallel_loop3A_393 : vector<1x16xf32> to vector<16xf32>
        %parallel_loop3A_395 = vector.shape_cast %parallel_loop3A_389 : vector<16xf32> to vector<1x16xf32>
        tpu.vector_store %arg9[%parallel_loop3A_391, %parallel_loop3A_392], %parallel_loop3A_395 {strides = array<i32>} : memref<8x2048xf32, #tpu.memory_space<vmem>>, vector<1x16xf32>,
      } {sc.loop_unroll_factor = 2 : i64, sc.parallel_access}
      %add3A_107 = arith.constant 2 : i32
      %add3A_108 = arith.addi %add3A_63, %add3A_107 : i32
      %lt3A_109 = arith.constant 64 : i32
      %lt3A_110 = arith.cmpi slt, %add3A_108, %lt3A_109 : i32
      %convert_element_type3A_111 = arith.extui %lt3A_110 : i1 to i32
      %cond3A_112 = arith.constant 0 : i32
      %cond3A_113 = arith.cmpi ne, %convert_element_type3A_111, %cond3A_112 : i32
      scf.if %cond3A_113 {
        %add3A_257 = arith.constant 2 : i32
        %add3A_258 = arith.addi %add3A_63, %add3A_257 : i32
        %jit3A_259 = arith.constant 2 : i32
        %div3A_260 = arith.divsi %add3A_258, %jit3A_259 : i32
        %sign3A_261 = arith.constant 0 : i32
        %sign3A_262 = arith.cmpi sgt, %add3A_258, %sign3A_261 : i32
        %sign3A_263 = arith.extui %sign3A_262 : i1 to i32
        %sign3A_264 = arith.constant 0 : i32
        %sign3A_265 = arith.cmpi slt, %add3A_258, %sign3A_264 : i32
        %sign3A_266 = arith.extui %sign3A_265 : i1 to i32
        %sign3A_267 = arith.subi %sign3A_263, %sign3A_266 : i32
        %sign3A_268 = arith.constant 0 : i32
        %sign3A_269 = arith.cmpi sgt, %jit3A_259, %sign3A_268 : i32
        %sign3A_270 = arith.extui %sign3A_269 : i1 to i32
        %sign3A_271 = arith.constant 0 : i32
        %sign3A_272 = arith.cmpi slt, %jit3A_259, %sign3A_271 : i32
        %sign3A_273 = arith.extui %sign3A_272 : i1 to i32
        %sign3A_274 = arith.subi %sign3A_270, %sign3A_273 : i32
        %ne3A_275 = arith.cmpi ne, %sign3A_267, %sign3A_274 : i32
        %rem3A_276 = arith.remsi %add3A_258, %jit3A_259 : i32
        %ne3A_277 = arith.constant 0 : i32
        %ne3A_278 = arith.cmpi ne, %rem3A_276, %ne3A_277 : i32
        %and3A_279 = arith.andi %ne3A_275, %ne3A_278 : i1
        %sub3A_280 = arith.constant 1 : i32
        %sub3A_281 = arith.subi %div3A_260, %sub3A_280 : i32
        %select_n3A_282 = arith.select %and3A_279, %sub3A_281, %div3A_260 : i32
        %mul3A_283 = arith.constant 8 : i32
        %mul3A_284 = arith.muli %select_n3A_282, %mul3A_283 : i32
        %add3A_285 = arith.addi %mul3A_2, %mul3A_284 : i32
        %jit3A_286 = arith.constant 2 : i32
        %eq3A_287 = arith.constant 0 : i32
        %eq3A_288 = arith.cmpi eq, %jit3A_286, %eq3A_287 : i32
        %jit3A_289 = arith.constant 1 : i32
        %select_n3A_290 = arith.select %eq3A_288, %jit3A_289, %jit3A_286 : i32
        %rem3A_291 = arith.remsi %add3A_258, %select_n3A_290 : i32
        %ne3A_292 = arith.constant 0 : i32
        %ne3A_293 = arith.cmpi ne, %rem3A_291, %ne3A_292 : i32
        %lt3A_294 = arith.constant 0 : i32
        %lt3A_295 = arith.cmpi slt, %rem3A_291, %lt3A_294 : i32
        %lt3A_296 = arith.constant 0 : i32
        %lt3A_297 = arith.cmpi slt, %select_n3A_290, %lt3A_296 : i32
        %ne3A_298 = arith.xori %lt3A_295, %lt3A_297 : i1
        %and3A_299 = arith.andi %ne3A_298, %ne3A_293 : i1
        %add3A_300 = arith.addi %rem3A_291, %select_n3A_290 : i32
        %select_n3A_301 = arith.select %and3A_299, %add3A_300, %rem3A_291 : i32
        %mul3A_302 = arith.constant 2048 : i32
        %mul3A_303 = arith.muli %select_n3A_301, %mul3A_302 : i32
        %dma_start3A_304 = tpu.memref_slice %arg2[%add3A_285, %mul3A_303] : memref<8192x4096xf32, #tpu.memory_space<hbm>> -> memref<8x2048xf32, #tpu.memory_space<hbm>>
        %dma_start3A_305 = tpu.memref_slice %arg2[%add3A_285, %mul3A_303] : memref<8192x4096xf32, #tpu.memory_space<hbm>> -> memref<8x2048xf32, #tpu.memory_space<hbm>>
        tpu.enqueue_dma source(%dma_start3A_305 : memref<8x2048xf32, #tpu.memory_space<hbm>>) target(%arg5 : memref<8x2048xf32, #tpu.memory_space<vmem>>) target_semaphore(%arg13 : memref<!tpu.dma_semaphore, #tpu.memory_space<semaphore_mem>>)
        %dma_start3A_306 = tpu.memref_slice %arg3[%add3A_285, %mul3A_303] : memref<8192x4096xf32, #tpu.memory_space<hbm>> -> memref<8x2048xf32, #tpu.memory_space<hbm>>
        %dma_start3A_307 = tpu.memref_slice %arg3[%add3A_285, %mul3A_303] : memref<8192x4096xf32, #tpu.memory_space<hbm>> -> memref<8x2048xf32, #tpu.memory_space<hbm>>
        tpu.enqueue_dma source(%dma_start3A_307 : memref<8x2048xf32, #tpu.memory_space<hbm>>) target(%arg7 : memref<8x2048xf32, #tpu.memory_space<vmem>>) target_semaphore(%arg15 : memref<!tpu.dma_semaphore, #tpu.memory_space<semaphore_mem>>)
      } else {
      }
      %gt3A_114 = arith.constant 0 : i32
      %gt3A_115 = arith.cmpi sgt, %add3A_59, %gt3A_114 : i32
      %convert_element_type3A_116 = arith.extui %gt3A_115 : i1 to i32
      %cond3A_117 = arith.constant 0 : i32
      %cond3A_118 = arith.cmpi ne, %convert_element_type3A_116, %cond3A_117 : i32
      scf.if %cond3A_118 {
        %sub3A_257 = arith.constant 2 : i32
        %sub3A_258 = arith.subi %add3A_63, %sub3A_257 : i32
        %mul3A_259 = arith.constant 8 : i32
        %mul3A_260 = arith.muli %arg1, %mul3A_259 : i32
        %jit3A_261 = arith.constant 2 : i32
        %div3A_262 = arith.divsi %sub3A_258, %jit3A_261 : i32
        %sign3A_263 = arith.constant 0 : i32
        %sign3A_264 = arith.cmpi sgt, %sub3A_258, %sign3A_263 : i32
        %sign3A_265 = arith.extui %sign3A_264 : i1 to i32
        %sign3A_266 = arith.constant 0 : i32
        %sign3A_267 = arith.cmpi slt, %sub3A_258, %sign3A_266 : i32
        %sign3A_268 = arith.extui %sign3A_267 : i1 to i32
        %sign3A_269 = arith.subi %sign3A_265, %sign3A_268 : i32
        %sign3A_270 = arith.constant 0 : i32
        %sign3A_271 = arith.cmpi sgt, %jit3A_261, %sign3A_270 : i32
        %sign3A_272 = arith.extui %sign3A_271 : i1 to i32
        %sign3A_273 = arith.constant 0 : i32
        %sign3A_274 = arith.cmpi slt, %jit3A_261, %sign3A_273 : i32
        %sign3A_275 = arith.extui %sign3A_274 : i1 to i32
        %sign3A_276 = arith.subi %sign3A_272, %sign3A_275 : i32
        %ne3A_277 = arith.cmpi ne, %sign3A_269, %sign3A_276 : i32
        %rem3A_278 = arith.remsi %sub3A_258, %jit3A_261 : i32
        %ne3A_279 = arith.constant 0 : i32
        %ne3A_280 = arith.cmpi ne, %rem3A_278, %ne3A_279 : i32
        %and3A_281 = arith.andi %ne3A_277, %ne3A_280 : i1
        %sub3A_282 = arith.constant 1 : i32
        %sub3A_283 = arith.subi %div3A_262, %sub3A_282 : i32
        %select_n3A_284 = arith.select %and3A_281, %sub3A_283, %div3A_262 : i32
        %mul3A_285 = arith.constant 8 : i32
        %mul3A_286 = arith.muli %select_n3A_284, %mul3A_285 : i32
        %add3A_287 = arith.addi %mul3A_2, %mul3A_286 : i32
        %jit3A_288 = arith.constant 2 : i32
        %eq3A_289 = arith.constant 0 : i32
        %eq3A_290 = arith.cmpi eq, %jit3A_288, %eq3A_289 : i32
        %jit3A_291 = arith.constant 1 : i32
        %select_n3A_292 = arith.select %eq3A_290, %jit3A_291, %jit3A_288 : i32
        %rem3A_293 = arith.remsi %sub3A_258, %select_n3A_292 : i32
        %ne3A_294 = arith.constant 0 : i32
        %ne3A_295 = arith.cmpi ne, %rem3A_293, %ne3A_294 : i32
        %lt3A_296 = arith.constant 0 : i32
        %lt3A_297 = arith.cmpi slt, %rem3A_293, %lt3A_296 : i32
        %lt3A_298 = arith.constant 0 : i32
        %lt3A_299 = arith.cmpi slt, %select_n3A_292, %lt3A_298 : i32
        %ne3A_300 = arith.xori %lt3A_297, %lt3A_299 : i1
        %and3A_301 = arith.andi %ne3A_300, %ne3A_295 : i1
        %add3A_302 = arith.addi %rem3A_293, %select_n3A_292 : i32
        %select_n3A_303 = arith.select %and3A_301, %add3A_302, %rem3A_293 : i32
        %mul3A_304 = arith.constant 2048 : i32
        %mul3A_305 = arith.muli %select_n3A_303, %mul3A_304 : i32
        %dma_wait3A_306 = tpu.memref_slice %arg4[%add3A_287, %mul3A_305] : memref<8192x4096xf32, #tpu.memory_space<hbm>> -> memref<8x2048xf32, #tpu.memory_space<hbm>>
        %dma_wait3A_307 = arith.constant 0 : i32
        %dma_wait3A_308 = tpu.memref_slice %arg11[%mul3A_260, %dma_wait3A_307] : memref<128x2048xf32, #tpu.memory_space<vmem_shared>> -> memref<8x2048xf32, #tpu.memory_space<vmem_shared>>
        tpu.wait_dma2 semaphore(%arg19 : memref<!tpu.dma_semaphore, #tpu.memory_space<semaphore_mem>>) src(%dma_wait3A_308 : memref<8x2048xf32, #tpu.memory_space<vmem_shared>>) dst(%dma_wait3A_306 : memref<8x2048xf32, #tpu.memory_space<hbm>>)
      } else {
      }
      %mul3A_119 = arith.constant 8 : i32
      %mul3A_120 = arith.muli %arg1, %mul3A_119 : i32
      %dma_start3A_121 = arith.constant 0 : i32
      %dma_start3A_122 = tpu.memref_slice %arg11[%mul3A_120, %dma_start3A_121] : memref<128x2048xf32, #tpu.memory_space<vmem_shared>> -> memref<8x2048xf32, #tpu.memory_space<vmem_shared>>
      %dma_start3A_123 = arith.constant 0 : i32
      %dma_start3A_124 = tpu.memref_slice %arg11[%mul3A_120, %dma_start3A_123] : memref<128x2048xf32, #tpu.memory_space<vmem_shared>> -> memref<8x2048xf32, #tpu.memory_space<vmem_shared>>
      tpu.enqueue_dma source(%arg9 : memref<8x2048xf32, #tpu.memory_space<vmem>>) target(%dma_start3A_124 : memref<8x2048xf32, #tpu.memory_space<vmem_shared>>) target_semaphore(%arg17 : memref<!tpu.dma_semaphore, #tpu.memory_space<semaphore_mem>>)
      %mul3A_125 = arith.constant 2 : i32
      %mul3A_126 = arith.muli %add3A_59, %mul3A_125 : i32
      %add3A_127 = arith.constant 1 : i32
      %add3A_128 = arith.addi %mul3A_126, %add3A_127 : i32
      %jit3A_129 = arith.constant 2 : i32
      %div3A_130 = arith.divsi %add3A_128, %jit3A_129 : i32
      %sign3A_131 = arith.constant 0 : i32
      %sign3A_132 = arith.cmpi sgt, %add3A_128, %sign3A_131 : i32
      %sign3A_133 = arith.extui %sign3A_132 : i1 to i32
      %sign3A_134 = arith.constant 0 : i32
      %sign3A_135 = arith.cmpi slt, %add3A_128, %sign3A_134 : i32
      %sign3A_136 = arith.extui %sign3A_135 : i1 to i32
      %sign3A_137 = arith.subi %sign3A_133, %sign3A_136 : i32
      %sign3A_138 = arith.constant 0 : i32
      %sign3A_139 = arith.cmpi sgt, %jit3A_129, %sign3A_138 : i32
      %sign3A_140 = arith.extui %sign3A_139 : i1 to i32
      %sign3A_141 = arith.constant 0 : i32
      %sign3A_142 = arith.cmpi slt, %jit3A_129, %sign3A_141 : i32
      %sign3A_143 = arith.extui %sign3A_142 : i1 to i32
      %sign3A_144 = arith.subi %sign3A_140, %sign3A_143 : i32
      %ne3A_145 = arith.cmpi ne, %sign3A_137, %sign3A_144 : i32
      %rem3A_146 = arith.remsi %add3A_128, %jit3A_129 : i32
      %ne3A_147 = arith.constant 0 : i32
      %ne3A_148 = arith.cmpi ne, %rem3A_146, %ne3A_147 : i32
      %and3A_149 = arith.andi %ne3A_145, %ne3A_148 : i1
      %sub3A_150 = arith.constant 1 : i32
      %sub3A_151 = arith.subi %div3A_130, %sub3A_150 : i32
      %select_n3A_152 = arith.select %and3A_149, %sub3A_151, %div3A_130 : i32
      %mul3A_153 = arith.constant 8 : i32
      %mul3A_154 = arith.muli %select_n3A_152, %mul3A_153 : i32
      %add3A_155 = arith.addi %mul3A_2, %mul3A_154 : i32
      %jit3A_156 = arith.constant 2 : i32
      %eq3A_157 = arith.constant 0 : i32
      %eq3A_158 = arith.cmpi eq, %jit3A_156, %eq3A_157 : i32
      %jit3A_159 = arith.constant 1 : i32
      %select_n3A_160 = arith.select %eq3A_158, %jit3A_159, %jit3A_156 : i32
      %rem3A_161 = arith.remsi %add3A_128, %select_n3A_160 : i32
      %ne3A_162 = arith.constant 0 : i32
      %ne3A_163 = arith.cmpi ne, %rem3A_161, %ne3A_162 : i32
      %lt3A_164 = arith.constant 0 : i32
      %lt3A_165 = arith.cmpi slt, %rem3A_161, %lt3A_164 : i32
      %lt3A_166 = arith.constant 0 : i32
      %lt3A_167 = arith.cmpi slt, %select_n3A_160, %lt3A_166 : i32
      %ne3A_168 = arith.xori %lt3A_165, %lt3A_167 : i1
      %and3A_169 = arith.andi %ne3A_168, %ne3A_163 : i1
      %add3A_170 = arith.addi %rem3A_161, %select_n3A_160 : i32
      %select_n3A_171 = arith.select %and3A_169, %add3A_170, %rem3A_161 : i32
      %mul3A_172 = arith.constant 2048 : i32
      %mul3A_173 = arith.muli %select_n3A_171, %mul3A_172 : i32
      %dma_wait3A_174 = tpu.memref_slice %arg2[%add3A_155, %mul3A_173] : memref<8192x4096xf32, #tpu.memory_space<hbm>> -> memref<8x2048xf32, #tpu.memory_space<hbm>>
      %dma_wait3A_175 = tpu.memref_slice %arg2[%add3A_155, %mul3A_173] : memref<8192x4096xf32, #tpu.memory_space<hbm>> -> memref<8x2048xf32, #tpu.memory_space<hbm>>
      tpu.wait_dma2 semaphore(%arg14 : memref<!tpu.dma_semaphore, #tpu.memory_space<semaphore_mem>>) src(%dma_wait3A_175 : memref<8x2048xf32, #tpu.memory_space<hbm>>) dst(%arg6 : memref<8x2048xf32, #tpu.memory_space<vmem>>)
      %dma_wait3A_176 = tpu.memref_slice %arg3[%add3A_155, %mul3A_173] : memref<8192x4096xf32, #tpu.memory_space<hbm>> -> memref<8x2048xf32, #tpu.memory_space<hbm>>
      %dma_wait3A_177 = tpu.memref_slice %arg3[%add3A_155, %mul3A_173] : memref<8192x4096xf32, #tpu.memory_space<hbm>> -> memref<8x2048xf32, #tpu.memory_space<hbm>>
      tpu.wait_dma2 semaphore(%arg16 : memref<!tpu.dma_semaphore, #tpu.memory_space<semaphore_mem>>) src(%dma_wait3A_177 : memref<8x2048xf32, #tpu.memory_space<hbm>>) dst(%arg8 : memref<8x2048xf32, #tpu.memory_space<vmem>>)
      %mul3A_178 = arith.constant 8 : i32
      %mul3A_179 = arith.muli %arg1, %mul3A_178 : i32
      %dma_wait3A_180 = arith.constant 0 : i32
      %dma_wait3A_181 = tpu.memref_slice %arg11[%mul3A_179, %dma_wait3A_180] : memref<128x2048xf32, #tpu.memory_space<vmem_shared>> -> memref<8x2048xf32, #tpu.memory_space<vmem_shared>>
      %dma_wait3A_182 = arith.constant 0 : i32
      %dma_wait3A_183 = tpu.memref_slice %arg11[%mul3A_179, %dma_wait3A_182] : memref<128x2048xf32, #tpu.memory_space<vmem_shared>> -> memref<8x2048xf32, #tpu.memory_space<vmem_shared>>
      tpu.wait_dma2 semaphore(%arg17 : memref<!tpu.dma_semaphore, #tpu.memory_space<semaphore_mem>>) src(%arg9 : memref<8x2048xf32, #tpu.memory_space<vmem>>) dst(%dma_wait3A_183 : memref<8x2048xf32, #tpu.memory_space<vmem_shared>>)
      %sub3A_184 = arith.constant 1 : i32
      %sub3A_185 = arith.subi %add3A_128, %sub3A_184 : i32
      %mul3A_186 = arith.constant 8 : i32
      %mul3A_187 = arith.muli %arg1, %mul3A_186 : i32
      %jit3A_188 = arith.constant 2 : i32
      %div3A_189 = arith.divsi %sub3A_185, %jit3A_188 : i32
      %sign3A_190 = arith.constant 0 : i32
      %sign3A_191 = arith.cmpi sgt, %sub3A_185, %sign3A_190 : i32
      %sign3A_192 = arith.extui %sign3A_191 : i1 to i32
      %sign3A_193 = arith.constant 0 : i32
      %sign3A_194 = arith.cmpi slt, %sub3A_185, %sign3A_193 : i32
      %sign3A_195 = arith.extui %sign3A_194 : i1 to i32
      %sign3A_196 = arith.subi %sign3A_192, %sign3A_195 : i32
      %sign3A_197 = arith.constant 0 : i32
      %sign3A_198 = arith.cmpi sgt, %jit3A_188, %sign3A_197 : i32
      %sign3A_199 = arith.extui %sign3A_198 : i1 to i32
      %sign3A_200 = arith.constant 0 : i32
      %sign3A_201 = arith.cmpi slt, %jit3A_188, %sign3A_200 : i32
      %sign3A_202 = arith.extui %sign3A_201 : i1 to i32
      %sign3A_203 = arith.subi %sign3A_199, %sign3A_202 : i32
      %ne3A_204 = arith.cmpi ne, %sign3A_196, %sign3A_203 : i32
      %rem3A_205 = arith.remsi %sub3A_185, %jit3A_188 : i32
      %ne3A_206 = arith.constant 0 : i32
      %ne3A_207 = arith.cmpi ne, %rem3A_205, %ne3A_206 : i32
      %and3A_208 = arith.andi %ne3A_204, %ne3A_207 : i1
      %sub3A_209 = arith.constant 1 : i32
      %sub3A_210 = arith.subi %div3A_189, %sub3A_209 : i32
      %select_n3A_211 = arith.select %and3A_208, %sub3A_210, %div3A_189 : i32
      %mul3A_212 = arith.constant 8 : i32
      %mul3A_213 = arith.muli %select_n3A_211, %mul3A_212 : i32
      %add3A_214 = arith.addi %mul3A_2, %mul3A_213 : i32
      %jit3A_215 = arith.constant 2 : i32
      %eq3A_216 = arith.constant 0 : i32
      %eq3A_217 = arith.cmpi eq, %jit3A_215, %eq3A_216 : i32
      %jit3A_218 = arith.constant 1 : i32
      %select_n3A_219 = arith.select %eq3A_217, %jit3A_218, %jit3A_215 : i32
      %rem3A_220 = arith.remsi %sub3A_185, %select_n3A_219 : i32
      %ne3A_221 = arith.constant 0 : i32
      %ne3A_222 = arith.cmpi ne, %rem3A_220, %ne3A_221 : i32
      %lt3A_223 = arith.constant 0 : i32
      %lt3A_224 = arith.cmpi slt, %rem3A_220, %lt3A_223 : i32
      %lt3A_225 = arith.constant 0 : i32
      %lt3A_226 = arith.cmpi slt, %select_n3A_219, %lt3A_225 : i32
      %ne3A_227 = arith.xori %lt3A_224, %lt3A_226 : i1
      %and3A_228 = arith.andi %ne3A_227, %ne3A_222 : i1
      %add3A_229 = arith.addi %rem3A_220, %select_n3A_219 : i32
      %select_n3A_230 = arith.select %and3A_228, %add3A_229, %rem3A_220 : i32
      %mul3A_231 = arith.constant 2048 : i32
      %mul3A_232 = arith.muli %select_n3A_230, %mul3A_231 : i32
      %dma_start3A_233 = tpu.memref_slice %arg4[%add3A_214, %mul3A_232] : memref<8192x4096xf32, #tpu.memory_space<hbm>> -> memref<8x2048xf32, #tpu.memory_space<hbm>>
      %dma_start3A_234 = arith.constant 0 : i32
      %dma_start3A_235 = tpu.memref_slice %arg11[%mul3A_187, %dma_start3A_234] : memref<128x2048xf32, #tpu.memory_space<vmem_shared>> -> memref<8x2048xf32, #tpu.memory_space<vmem_shared>>
      tpu.enqueue_dma source(%dma_start3A_235 : memref<8x2048xf32, #tpu.memory_space<vmem_shared>>) target(%dma_start3A_233 : memref<8x2048xf32, #tpu.memory_space<hbm>>) target_semaphore(%arg19 : memref<!tpu.dma_semaphore, #tpu.memory_space<semaphore_mem>>)
      %parallel_loop3A_236 = arith.constant 0 : i32
      %parallel_loop3A_237 = arith.constant 128 : i32
      %parallel_loop3A_238 = arith.constant 1 : i32
      scf.for %parallel_loop3A_257 = %parallel_loop3A_236 to %parallel_loop3A_237 step %parallel_loop3A_238  : i32 {
        %parallel_loop3A_258 = arith.constant 16 : i32
        %parallel_loop3A_259 = arith.muli %parallel_loop3A_257, %parallel_loop3A_258 : i32
        %parallel_loop3A_260 = arith.constant 0 : i32
        %parallel_loop3A_261 = arith.index_cast %parallel_loop3A_260 : i32 to index
        %parallel_loop3A_262 = arith.index_cast %parallel_loop3A_259 : i32 to index
        %parallel_loop3A_263 = tpu.vector_load %arg6[%parallel_loop3A_261, %parallel_loop3A_262] {strides = array<i32>} : memref<8x2048xf32, #tpu.memory_space<vmem>>, vector<1x16xf32>,
        %parallel_loop3A_264 = vector.shape_cast %parallel_loop3A_263 : vector<1x16xf32> to vector<16xf32>
        %parallel_loop3A_265 = arith.constant 0 : i32
        %parallel_loop3A_266 = arith.index_cast %parallel_loop3A_265 : i32 to index
        %parallel_loop3A_267 = arith.index_cast %parallel_loop3A_259 : i32 to index
        %parallel_loop3A_268 = tpu.vector_load %arg8[%parallel_loop3A_266, %parallel_loop3A_267] {strides = array<i32>} : memref<8x2048xf32, #tpu.memory_space<vmem>>, vector<1x16xf32>,
        %parallel_loop3A_269 = vector.shape_cast %parallel_loop3A_268 : vector<1x16xf32> to vector<16xf32>
        %parallel_loop3A_270 = arith.addf %parallel_loop3A_264, %parallel_loop3A_269 : vector<16xf32>
        %parallel_loop3A_271 = arith.constant 0 : i32
        %parallel_loop3A_272 = arith.index_cast %parallel_loop3A_271 : i32 to index
        %parallel_loop3A_273 = arith.index_cast %parallel_loop3A_259 : i32 to index
        %parallel_loop3A_274 = tpu.vector_load %arg10[%parallel_loop3A_272, %parallel_loop3A_273] {strides = array<i32>} : memref<8x2048xf32, #tpu.memory_space<vmem>>, vector<1x16xf32>,
        %parallel_loop3A_275 = vector.shape_cast %parallel_loop3A_274 : vector<1x16xf32> to vector<16xf32>
        %parallel_loop3A_276 = vector.shape_cast %parallel_loop3A_270 : vector<16xf32> to vector<1x16xf32>
        tpu.vector_store %arg10[%parallel_loop3A_272, %parallel_loop3A_273], %parallel_loop3A_276 {strides = array<i32>} : memref<8x2048xf32, #tpu.memory_space<vmem>>, vector<1x16xf32>,
        %parallel_loop3A_277 = arith.constant 1 : i32
        %parallel_loop3A_278 = arith.index_cast %parallel_loop3A_277 : i32 to index
        %parallel_loop3A_279 = arith.index_cast %parallel_loop3A_259 : i32 to index
        %parallel_loop3A_280 = tpu.vector_load %arg6[%parallel_loop3A_278, %parallel_loop3A_279] {strides = array<i32>} : memref<8x2048xf32, #tpu.memory_space<vmem>>, vector<1x16xf32>,
        %parallel_loop3A_281 = vector.shape_cast %parallel_loop3A_280 : vector<1x16xf32> to vector<16xf32>
        %parallel_loop3A_282 = arith.constant 1 : i32
        %parallel_loop3A_283 = arith.index_cast %parallel_loop3A_282 : i32 to index
        %parallel_loop3A_284 = arith.index_cast %parallel_loop3A_259 : i32 to index
        %parallel_loop3A_285 = tpu.vector_load %arg8[%parallel_loop3A_283, %parallel_loop3A_284] {strides = array<i32>} : memref<8x2048xf32, #tpu.memory_space<vmem>>, vector<1x16xf32>,
        %parallel_loop3A_286 = vector.shape_cast %parallel_loop3A_285 : vector<1x16xf32> to vector<16xf32>
        %parallel_loop3A_287 = arith.addf %parallel_loop3A_281, %parallel_loop3A_286 : vector<16xf32>
        %parallel_loop3A_288 = arith.constant 1 : i32
        %parallel_loop3A_289 = arith.index_cast %parallel_loop3A_288 : i32 to index
        %parallel_loop3A_290 = arith.index_cast %parallel_loop3A_259 : i32 to index
        %parallel_loop3A_291 = tpu.vector_load %arg10[%parallel_loop3A_289, %parallel_loop3A_290] {strides = array<i32>} : memref<8x2048xf32, #tpu.memory_space<vmem>>, vector<1x16xf32>,
        %parallel_loop3A_292 = vector.shape_cast %parallel_loop3A_291 : vector<1x16xf32> to vector<16xf32>
        %parallel_loop3A_293 = vector.shape_cast %parallel_loop3A_287 : vector<16xf32> to vector<1x16xf32>
        tpu.vector_store %arg10[%parallel_loop3A_289, %parallel_loop3A_290], %parallel_loop3A_293 {strides = array<i32>} : memref<8x2048xf32, #tpu.memory_space<vmem>>, vector<1x16xf32>,
        %parallel_loop3A_294 = arith.constant 2 : i32
        %parallel_loop3A_295 = arith.index_cast %parallel_loop3A_294 : i32 to index
        %parallel_loop3A_296 = arith.index_cast %parallel_loop3A_259 : i32 to index
        %parallel_loop3A_297 = tpu.vector_load %arg6[%parallel_loop3A_295, %parallel_loop3A_296] {strides = array<i32>} : memref<8x2048xf32, #tpu.memory_space<vmem>>, vector<1x16xf32>,
        %parallel_loop3A_298 = vector.shape_cast %parallel_loop3A_297 : vector<1x16xf32> to vector<16xf32>
        %parallel_loop3A_299 = arith.constant 2 : i32
        %parallel_loop3A_300 = arith.index_cast %parallel_loop3A_299 : i32 to index
        %parallel_loop3A_301 = arith.index_cast %parallel_loop3A_259 : i32 to index
        %parallel_loop3A_302 = tpu.vector_load %arg8[%parallel_loop3A_300, %parallel_loop3A_301] {strides = array<i32>} : memref<8x2048xf32, #tpu.memory_space<vmem>>, vector<1x16xf32>,
        %parallel_loop3A_303 = vector.shape_cast %parallel_loop3A_302 : vector<1x16xf32> to vector<16xf32>
        %parallel_loop3A_304 = arith.addf %parallel_loop3A_298, %parallel_loop3A_303 : vector<16xf32>
        %parallel_loop3A_305 = arith.constant 2 : i32
        %parallel_loop3A_306 = arith.index_cast %parallel_loop3A_305 : i32 to index
        %parallel_loop3A_307 = arith.index_cast %parallel_loop3A_259 : i32 to index
        %parallel_loop3A_308 = tpu.vector_load %arg10[%parallel_loop3A_306, %parallel_loop3A_307] {strides = array<i32>} : memref<8x2048xf32, #tpu.memory_space<vmem>>, vector<1x16xf32>,
        %parallel_loop3A_309 = vector.shape_cast %parallel_loop3A_308 : vector<1x16xf32> to vector<16xf32>
        %parallel_loop3A_310 = vector.shape_cast %parallel_loop3A_304 : vector<16xf32> to vector<1x16xf32>
        tpu.vector_store %arg10[%parallel_loop3A_306, %parallel_loop3A_307], %parallel_loop3A_310 {strides = array<i32>} : memref<8x2048xf32, #tpu.memory_space<vmem>>, vector<1x16xf32>,
        %parallel_loop3A_311 = arith.constant 3 : i32
        %parallel_loop3A_312 = arith.index_cast %parallel_loop3A_311 : i32 to index
        %parallel_loop3A_313 = arith.index_cast %parallel_loop3A_259 : i32 to index
        %parallel_loop3A_314 = tpu.vector_load %arg6[%parallel_loop3A_312, %parallel_loop3A_313] {strides = array<i32>} : memref<8x2048xf32, #tpu.memory_space<vmem>>, vector<1x16xf32>,
        %parallel_loop3A_315 = vector.shape_cast %parallel_loop3A_314 : vector<1x16xf32> to vector<16xf32>
        %parallel_loop3A_316 = arith.constant 3 : i32
        %parallel_loop3A_317 = arith.index_cast %parallel_loop3A_316 : i32 to index
        %parallel_loop3A_318 = arith.index_cast %parallel_loop3A_259 : i32 to index
        %parallel_loop3A_319 = tpu.vector_load %arg8[%parallel_loop3A_317, %parallel_loop3A_318] {strides = array<i32>} : memref<8x2048xf32, #tpu.memory_space<vmem>>, vector<1x16xf32>,
        %parallel_loop3A_320 = vector.shape_cast %parallel_loop3A_319 : vector<1x16xf32> to vector<16xf32>
        %parallel_loop3A_321 = arith.addf %parallel_loop3A_315, %parallel_loop3A_320 : vector<16xf32>
        %parallel_loop3A_322 = arith.constant 3 : i32
        %parallel_loop3A_323 = arith.index_cast %parallel_loop3A_322 : i32 to index
        %parallel_loop3A_324 = arith.index_cast %parallel_loop3A_259 : i32 to index
        %parallel_loop3A_325 = tpu.vector_load %arg10[%parallel_loop3A_323, %parallel_loop3A_324] {strides = array<i32>} : memref<8x2048xf32, #tpu.memory_space<vmem>>, vector<1x16xf32>,
        %parallel_loop3A_326 = vector.shape_cast %parallel_loop3A_325 : vector<1x16xf32> to vector<16xf32>
        %parallel_loop3A_327 = vector.shape_cast %parallel_loop3A_321 : vector<16xf32> to vector<1x16xf32>
        tpu.vector_store %arg10[%parallel_loop3A_323, %parallel_loop3A_324], %parallel_loop3A_327 {strides = array<i32>} : memref<8x2048xf32, #tpu.memory_space<vmem>>, vector<1x16xf32>,
        %parallel_loop3A_328 = arith.constant 4 : i32
        %parallel_loop3A_329 = arith.index_cast %parallel_loop3A_328 : i32 to index
        %parallel_loop3A_330 = arith.index_cast %parallel_loop3A_259 : i32 to index
        %parallel_loop3A_331 = tpu.vector_load %arg6[%parallel_loop3A_329, %parallel_loop3A_330] {strides = array<i32>} : memref<8x2048xf32, #tpu.memory_space<vmem>>, vector<1x16xf32>,
        %parallel_loop3A_332 = vector.shape_cast %parallel_loop3A_331 : vector<1x16xf32> to vector<16xf32>
        %parallel_loop3A_333 = arith.constant 4 : i32
        %parallel_loop3A_334 = arith.index_cast %parallel_loop3A_333 : i32 to index
        %parallel_loop3A_335 = arith.index_cast %parallel_loop3A_259 : i32 to index
        %parallel_loop3A_336 = tpu.vector_load %arg8[%parallel_loop3A_334, %parallel_loop3A_335] {strides = array<i32>} : memref<8x2048xf32, #tpu.memory_space<vmem>>, vector<1x16xf32>,
        %parallel_loop3A_337 = vector.shape_cast %parallel_loop3A_336 : vector<1x16xf32> to vector<16xf32>
        %parallel_loop3A_338 = arith.addf %parallel_loop3A_332, %parallel_loop3A_337 : vector<16xf32>
        %parallel_loop3A_339 = arith.constant 4 : i32
        %parallel_loop3A_340 = arith.index_cast %parallel_loop3A_339 : i32 to index
        %parallel_loop3A_341 = arith.index_cast %parallel_loop3A_259 : i32 to index
        %parallel_loop3A_342 = tpu.vector_load %arg10[%parallel_loop3A_340, %parallel_loop3A_341] {strides = array<i32>} : memref<8x2048xf32, #tpu.memory_space<vmem>>, vector<1x16xf32>,
        %parallel_loop3A_343 = vector.shape_cast %parallel_loop3A_342 : vector<1x16xf32> to vector<16xf32>
        %parallel_loop3A_344 = vector.shape_cast %parallel_loop3A_338 : vector<16xf32> to vector<1x16xf32>
        tpu.vector_store %arg10[%parallel_loop3A_340, %parallel_loop3A_341], %parallel_loop3A_344 {strides = array<i32>} : memref<8x2048xf32, #tpu.memory_space<vmem>>, vector<1x16xf32>,
        %parallel_loop3A_345 = arith.constant 5 : i32
        %parallel_loop3A_346 = arith.index_cast %parallel_loop3A_345 : i32 to index
        %parallel_loop3A_347 = arith.index_cast %parallel_loop3A_259 : i32 to index
        %parallel_loop3A_348 = tpu.vector_load %arg6[%parallel_loop3A_346, %parallel_loop3A_347] {strides = array<i32>} : memref<8x2048xf32, #tpu.memory_space<vmem>>, vector<1x16xf32>,
        %parallel_loop3A_349 = vector.shape_cast %parallel_loop3A_348 : vector<1x16xf32> to vector<16xf32>
        %parallel_loop3A_350 = arith.constant 5 : i32
        %parallel_loop3A_351 = arith.index_cast %parallel_loop3A_350 : i32 to index
        %parallel_loop3A_352 = arith.index_cast %parallel_loop3A_259 : i32 to index
        %parallel_loop3A_353 = tpu.vector_load %arg8[%parallel_loop3A_351, %parallel_loop3A_352] {strides = array<i32>} : memref<8x2048xf32, #tpu.memory_space<vmem>>, vector<1x16xf32>,
        %parallel_loop3A_354 = vector.shape_cast %parallel_loop3A_353 : vector<1x16xf32> to vector<16xf32>
        %parallel_loop3A_355 = arith.addf %parallel_loop3A_349, %parallel_loop3A_354 : vector<16xf32>
        %parallel_loop3A_356 = arith.constant 5 : i32
        %parallel_loop3A_357 = arith.index_cast %parallel_loop3A_356 : i32 to index
        %parallel_loop3A_358 = arith.index_cast %parallel_loop3A_259 : i32 to index
        %parallel_loop3A_359 = tpu.vector_load %arg10[%parallel_loop3A_357, %parallel_loop3A_358] {strides = array<i32>} : memref<8x2048xf32, #tpu.memory_space<vmem>>, vector<1x16xf32>,
        %parallel_loop3A_360 = vector.shape_cast %parallel_loop3A_359 : vector<1x16xf32> to vector<16xf32>
        %parallel_loop3A_361 = vector.shape_cast %parallel_loop3A_355 : vector<16xf32> to vector<1x16xf32>
        tpu.vector_store %arg10[%parallel_loop3A_357, %parallel_loop3A_358], %parallel_loop3A_361 {strides = array<i32>} : memref<8x2048xf32, #tpu.memory_space<vmem>>, vector<1x16xf32>,
        %parallel_loop3A_362 = arith.constant 6 : i32
        %parallel_loop3A_363 = arith.index_cast %parallel_loop3A_362 : i32 to index
        %parallel_loop3A_364 = arith.index_cast %parallel_loop3A_259 : i32 to index
        %parallel_loop3A_365 = tpu.vector_load %arg6[%parallel_loop3A_363, %parallel_loop3A_364] {strides = array<i32>} : memref<8x2048xf32, #tpu.memory_space<vmem>>, vector<1x16xf32>,
        %parallel_loop3A_366 = vector.shape_cast %parallel_loop3A_365 : vector<1x16xf32> to vector<16xf32>
        %parallel_loop3A_367 = arith.constant 6 : i32
        %parallel_loop3A_368 = arith.index_cast %parallel_loop3A_367 : i32 to index
        %parallel_loop3A_369 = arith.index_cast %parallel_loop3A_259 : i32 to index
        %parallel_loop3A_370 = tpu.vector_load %arg8[%parallel_loop3A_368, %parallel_loop3A_369] {strides = array<i32>} : memref<8x2048xf32, #tpu.memory_space<vmem>>, vector<1x16xf32>,
        %parallel_loop3A_371 = vector.shape_cast %parallel_loop3A_370 : vector<1x16xf32> to vector<16xf32>
        %parallel_loop3A_372 = arith.addf %parallel_loop3A_366, %parallel_loop3A_371 : vector<16xf32>
        %parallel_loop3A_373 = arith.constant 6 : i32
        %parallel_loop3A_374 = arith.index_cast %parallel_loop3A_373 : i32 to index
        %parallel_loop3A_375 = arith.index_cast %parallel_loop3A_259 : i32 to index
        %parallel_loop3A_376 = tpu.vector_load %arg10[%parallel_loop3A_374, %parallel_loop3A_375] {strides = array<i32>} : memref<8x2048xf32, #tpu.memory_space<vmem>>, vector<1x16xf32>,
        %parallel_loop3A_377 = vector.shape_cast %parallel_loop3A_376 : vector<1x16xf32> to vector<16xf32>
        %parallel_loop3A_378 = vector.shape_cast %parallel_loop3A_372 : vector<16xf32> to vector<1x16xf32>
        tpu.vector_store %arg10[%parallel_loop3A_374, %parallel_loop3A_375], %parallel_loop3A_378 {strides = array<i32>} : memref<8x2048xf32, #tpu.memory_space<vmem>>, vector<1x16xf32>,
        %parallel_loop3A_379 = arith.constant 7 : i32
        %parallel_loop3A_380 = arith.index_cast %parallel_loop3A_379 : i32 to index
        %parallel_loop3A_381 = arith.index_cast %parallel_loop3A_259 : i32 to index
        %parallel_loop3A_382 = tpu.vector_load %arg6[%parallel_loop3A_380, %parallel_loop3A_381] {strides = array<i32>} : memref<8x2048xf32, #tpu.memory_space<vmem>>, vector<1x16xf32>,
        %parallel_loop3A_383 = vector.shape_cast %parallel_loop3A_382 : vector<1x16xf32> to vector<16xf32>
        %parallel_loop3A_384 = arith.constant 7 : i32
        %parallel_loop3A_385 = arith.index_cast %parallel_loop3A_384 : i32 to index
        %parallel_loop3A_386 = arith.index_cast %parallel_loop3A_259 : i32 to index
        %parallel_loop3A_387 = tpu.vector_load %arg8[%parallel_loop3A_385, %parallel_loop3A_386] {strides = array<i32>} : memref<8x2048xf32, #tpu.memory_space<vmem>>, vector<1x16xf32>,
        %parallel_loop3A_388 = vector.shape_cast %parallel_loop3A_387 : vector<1x16xf32> to vector<16xf32>
        %parallel_loop3A_389 = arith.addf %parallel_loop3A_383, %parallel_loop3A_388 : vector<16xf32>
        %parallel_loop3A_390 = arith.constant 7 : i32
        %parallel_loop3A_391 = arith.index_cast %parallel_loop3A_390 : i32 to index
        %parallel_loop3A_392 = arith.index_cast %parallel_loop3A_259 : i32 to index
        %parallel_loop3A_393 = tpu.vector_load %arg10[%parallel_loop3A_391, %parallel_loop3A_392] {strides = array<i32>} : memref<8x2048xf32, #tpu.memory_space<vmem>>, vector<1x16xf32>,
        %parallel_loop3A_394 = vector.shape_cast %parallel_loop3A_393 : vector<1x16xf32> to vector<16xf32>
        %parallel_loop3A_395 = vector.shape_cast %parallel_loop3A_389 : vector<16xf32> to vector<1x16xf32>
        tpu.vector_store %arg10[%parallel_loop3A_391, %parallel_loop3A_392], %parallel_loop3A_395 {strides = array<i32>} : memref<8x2048xf32, #tpu.memory_space<vmem>>, vector<1x16xf32>,
      } {sc.loop_unroll_factor = 2 : i64, sc.parallel_access}
      %add3A_239 = arith.constant 2 : i32
      %add3A_240 = arith.addi %add3A_128, %add3A_239 : i32
      %lt3A_241 = arith.constant 64 : i32
      %lt3A_242 = arith.cmpi slt, %add3A_240, %lt3A_241 : i32
      %convert_element_type3A_243 = arith.extui %lt3A_242 : i1 to i32
      %cond3A_244 = arith.constant 0 : i32
      %cond3A_245 = arith.cmpi ne, %convert_element_type3A_243, %cond3A_244 : i32
      scf.if %cond3A_245 {
        %add3A_257 = arith.constant 2 : i32
        %add3A_258 = arith.addi %add3A_128, %add3A_257 : i32
        %jit3A_259 = arith.constant 2 : i32
        %div3A_260 = arith.divsi %add3A_258, %jit3A_259 : i32
        %sign3A_261 = arith.constant 0 : i32
        %sign3A_262 = arith.cmpi sgt, %add3A_258, %sign3A_261 : i32
        %sign3A_263 = arith.extui %sign3A_262 : i1 to i32
        %sign3A_264 = arith.constant 0 : i32
        %sign3A_265 = arith.cmpi slt, %add3A_258, %sign3A_264 : i32
        %sign3A_266 = arith.extui %sign3A_265 : i1 to i32
        %sign3A_267 = arith.subi %sign3A_263, %sign3A_266 : i32
        %sign3A_268 = arith.constant 0 : i32
        %sign3A_269 = arith.cmpi sgt, %jit3A_259, %sign3A_268 : i32
        %sign3A_270 = arith.extui %sign3A_269 : i1 to i32
        %sign3A_271 = arith.constant 0 : i32
        %sign3A_272 = arith.cmpi slt, %jit3A_259, %sign3A_271 : i32
        %sign3A_273 = arith.extui %sign3A_272 : i1 to i32
        %sign3A_274 = arith.subi %sign3A_270, %sign3A_273 : i32
        %ne3A_275 = arith.cmpi ne, %sign3A_267, %sign3A_274 : i32
        %rem3A_276 = arith.remsi %add3A_258, %jit3A_259 : i32
        %ne3A_277 = arith.constant 0 : i32
        %ne3A_278 = arith.cmpi ne, %rem3A_276, %ne3A_277 : i32
        %and3A_279 = arith.andi %ne3A_275, %ne3A_278 : i1
        %sub3A_280 = arith.constant 1 : i32
        %sub3A_281 = arith.subi %div3A_260, %sub3A_280 : i32
        %select_n3A_282 = arith.select %and3A_279, %sub3A_281, %div3A_260 : i32
        %mul3A_283 = arith.constant 8 : i32
        %mul3A_284 = arith.muli %select_n3A_282, %mul3A_283 : i32
        %add3A_285 = arith.addi %mul3A_2, %mul3A_284 : i32
        %jit3A_286 = arith.constant 2 : i32
        %eq3A_287 = arith.constant 0 : i32
        %eq3A_288 = arith.cmpi eq, %jit3A_286, %eq3A_287 : i32
        %jit3A_289 = arith.constant 1 : i32
        %select_n3A_290 = arith.select %eq3A_288, %jit3A_289, %jit3A_286 : i32
        %rem3A_291 = arith.remsi %add3A_258, %select_n3A_290 : i32
        %ne3A_292 = arith.constant 0 : i32
        %ne3A_293 = arith.cmpi ne, %rem3A_291, %ne3A_292 : i32
        %lt3A_294 = arith.constant 0 : i32
        %lt3A_295 = arith.cmpi slt, %rem3A_291, %lt3A_294 : i32
        %lt3A_296 = arith.constant 0 : i32
        %lt3A_297 = arith.cmpi slt, %select_n3A_290, %lt3A_296 : i32
        %ne3A_298 = arith.xori %lt3A_295, %lt3A_297 : i1
        %and3A_299 = arith.andi %ne3A_298, %ne3A_293 : i1
        %add3A_300 = arith.addi %rem3A_291, %select_n3A_290 : i32
        %select_n3A_301 = arith.select %and3A_299, %add3A_300, %rem3A_291 : i32
        %mul3A_302 = arith.constant 2048 : i32
        %mul3A_303 = arith.muli %select_n3A_301, %mul3A_302 : i32
        %dma_start3A_304 = tpu.memref_slice %arg2[%add3A_285, %mul3A_303] : memref<8192x4096xf32, #tpu.memory_space<hbm>> -> memref<8x2048xf32, #tpu.memory_space<hbm>>
        %dma_start3A_305 = tpu.memref_slice %arg2[%add3A_285, %mul3A_303] : memref<8192x4096xf32, #tpu.memory_space<hbm>> -> memref<8x2048xf32, #tpu.memory_space<hbm>>
        tpu.enqueue_dma source(%dma_start3A_305 : memref<8x2048xf32, #tpu.memory_space<hbm>>) target(%arg6 : memref<8x2048xf32, #tpu.memory_space<vmem>>) target_semaphore(%arg14 : memref<!tpu.dma_semaphore, #tpu.memory_space<semaphore_mem>>)
        %dma_start3A_306 = tpu.memref_slice %arg3[%add3A_285, %mul3A_303] : memref<8192x4096xf32, #tpu.memory_space<hbm>> -> memref<8x2048xf32, #tpu.memory_space<hbm>>
        %dma_start3A_307 = tpu.memref_slice %arg3[%add3A_285, %mul3A_303] : memref<8192x4096xf32, #tpu.memory_space<hbm>> -> memref<8x2048xf32, #tpu.memory_space<hbm>>
        tpu.enqueue_dma source(%dma_start3A_307 : memref<8x2048xf32, #tpu.memory_space<hbm>>) target(%arg8 : memref<8x2048xf32, #tpu.memory_space<vmem>>) target_semaphore(%arg16 : memref<!tpu.dma_semaphore, #tpu.memory_space<semaphore_mem>>)
      } else {
      }
      %gt3A_246 = arith.constant 0 : i32
      %gt3A_247 = arith.cmpi sgt, %add3A_59, %gt3A_246 : i32
      %convert_element_type3A_248 = arith.extui %gt3A_247 : i1 to i32
      %cond3A_249 = arith.constant 0 : i32
      %cond3A_250 = arith.cmpi ne, %convert_element_type3A_248, %cond3A_249 : i32
      scf.if %cond3A_250 {
        %sub3A_257 = arith.constant 2 : i32
        %sub3A_258 = arith.subi %add3A_128, %sub3A_257 : i32
        %mul3A_259 = arith.constant 8 : i32
        %mul3A_260 = arith.muli %arg1, %mul3A_259 : i32
        %jit3A_261 = arith.constant 2 : i32
        %div3A_262 = arith.divsi %sub3A_258, %jit3A_261 : i32
        %sign3A_263 = arith.constant 0 : i32
        %sign3A_264 = arith.cmpi sgt, %sub3A_258, %sign3A_263 : i32
        %sign3A_265 = arith.extui %sign3A_264 : i1 to i32
        %sign3A_266 = arith.constant 0 : i32
        %sign3A_267 = arith.cmpi slt, %sub3A_258, %sign3A_266 : i32
        %sign3A_268 = arith.extui %sign3A_267 : i1 to i32
        %sign3A_269 = arith.subi %sign3A_265, %sign3A_268 : i32
        %sign3A_270 = arith.constant 0 : i32
        %sign3A_271 = arith.cmpi sgt, %jit3A_261, %sign3A_270 : i32
        %sign3A_272 = arith.extui %sign3A_271 : i1 to i32
        %sign3A_273 = arith.constant 0 : i32
        %sign3A_274 = arith.cmpi slt, %jit3A_261, %sign3A_273 : i32
        %sign3A_275 = arith.extui %sign3A_274 : i1 to i32
        %sign3A_276 = arith.subi %sign3A_272, %sign3A_275 : i32
        %ne3A_277 = arith.cmpi ne, %sign3A_269, %sign3A_276 : i32
        %rem3A_278 = arith.remsi %sub3A_258, %jit3A_261 : i32
        %ne3A_279 = arith.constant 0 : i32
        %ne3A_280 = arith.cmpi ne, %rem3A_278, %ne3A_279 : i32
        %and3A_281 = arith.andi %ne3A_277, %ne3A_280 : i1
        %sub3A_282 = arith.constant 1 : i32
        %sub3A_283 = arith.subi %div3A_262, %sub3A_282 : i32
        %select_n3A_284 = arith.select %and3A_281, %sub3A_283, %div3A_262 : i32
        %mul3A_285 = arith.constant 8 : i32
        %mul3A_286 = arith.muli %select_n3A_284, %mul3A_285 : i32
        %add3A_287 = arith.addi %mul3A_2, %mul3A_286 : i32
        %jit3A_288 = arith.constant 2 : i32
        %eq3A_289 = arith.constant 0 : i32
        %eq3A_290 = arith.cmpi eq, %jit3A_288, %eq3A_289 : i32
        %jit3A_291 = arith.constant 1 : i32
        %select_n3A_292 = arith.select %eq3A_290, %jit3A_291, %jit3A_288 : i32
        %rem3A_293 = arith.remsi %sub3A_258, %select_n3A_292 : i32
        %ne3A_294 = arith.constant 0 : i32
        %ne3A_295 = arith.cmpi ne, %rem3A_293, %ne3A_294 : i32
        %lt3A_296 = arith.constant 0 : i32
        %lt3A_297 = arith.cmpi slt, %rem3A_293, %lt3A_296 : i32
        %lt3A_298 = arith.constant 0 : i32
        %lt3A_299 = arith.cmpi slt, %select_n3A_292, %lt3A_298 : i32
        %ne3A_300 = arith.xori %lt3A_297, %lt3A_299 : i1
        %and3A_301 = arith.andi %ne3A_300, %ne3A_295 : i1
        %add3A_302 = arith.addi %rem3A_293, %select_n3A_292 : i32
        %select_n3A_303 = arith.select %and3A_301, %add3A_302, %rem3A_293 : i32
        %mul3A_304 = arith.constant 2048 : i32
        %mul3A_305 = arith.muli %select_n3A_303, %mul3A_304 : i32
        %dma_wait3A_306 = tpu.memref_slice %arg4[%add3A_287, %mul3A_305] : memref<8192x4096xf32, #tpu.memory_space<hbm>> -> memref<8x2048xf32, #tpu.memory_space<hbm>>
        %dma_wait3A_307 = arith.constant 0 : i32
        %dma_wait3A_308 = tpu.memref_slice %arg12[%mul3A_260, %dma_wait3A_307] : memref<128x2048xf32, #tpu.memory_space<vmem_shared>> -> memref<8x2048xf32, #tpu.memory_space<vmem_shared>>
        tpu.wait_dma2 semaphore(%arg20 : memref<!tpu.dma_semaphore, #tpu.memory_space<semaphore_mem>>) src(%dma_wait3A_308 : memref<8x2048xf32, #tpu.memory_space<vmem_shared>>) dst(%dma_wait3A_306 : memref<8x2048xf32, #tpu.memory_space<hbm>>)
      } else {
      }
      %mul3A_251 = arith.constant 8 : i32
      %mul3A_252 = arith.muli %arg1, %mul3A_251 : i32
      %dma_start3A_253 = arith.constant 0 : i32
      %dma_start3A_254 = tpu.memref_slice %arg12[%mul3A_252, %dma_start3A_253] : memref<128x2048xf32, #tpu.memory_space<vmem_shared>> -> memref<8x2048xf32, #tpu.memory_space<vmem_shared>>
      %dma_start3A_255 = arith.constant 0 : i32
      %dma_start3A_256 = tpu.memref_slice %arg12[%mul3A_252, %dma_start3A_255] : memref<128x2048xf32, #tpu.memory_space<vmem_shared>> -> memref<8x2048xf32, #tpu.memory_space<vmem_shared>>
      tpu.enqueue_dma source(%arg10 : memref<8x2048xf32, #tpu.memory_space<vmem>>) target(%dma_start3A_256 : memref<8x2048xf32, #tpu.memory_space<vmem_shared>>) target_semaphore(%arg18 : memref<!tpu.dma_semaphore, #tpu.memory_space<semaphore_mem>>)
    }
    %scan3A_25 = arith.constant 32 : i32
    %mul3A_26 = arith.constant 8 : i32
    %mul3A_27 = arith.muli %arg1, %mul3A_26 : i32
    %dma_wait3A = arith.constant 0 : i32
    %dma_wait3A_28 = tpu.memref_slice %arg12[%mul3A_27, %dma_wait3A] : memref<128x2048xf32, #tpu.memory_space<vmem_shared>> -> memref<8x2048xf32, #tpu.memory_space<vmem_shared>>
    %dma_wait3A_29 = arith.constant 0 : i32
    %dma_wait3A_30 = tpu.memref_slice %arg12[%mul3A_27, %dma_wait3A_29] : memref<128x2048xf32, #tpu.memory_space<vmem_shared>> -> memref<8x2048xf32, #tpu.memory_space<vmem_shared>>
    tpu.wait_dma2 semaphore(%arg18 : memref<!tpu.dma_semaphore, #tpu.memory_space<semaphore_mem>>) src(%arg10 : memref<8x2048xf32, #tpu.memory_space<vmem>>) dst(%dma_wait3A_30 : memref<8x2048xf32, #tpu.memory_space<vmem_shared>>)
    %mul3A_31 = arith.constant 8 : i32
    %mul3A_32 = arith.muli %arg1, %mul3A_31 : i32
    %add3A_33 = arith.constant 248 : i32
    %add3A_34 = arith.addi %mul3A_2, %add3A_33 : i32
    %dma_start3A_35 = arith.constant 2048 : i32
    %dma_start3A_36 = tpu.memref_slice %arg4[%add3A_34, %dma_start3A_35] : memref<8192x4096xf32, #tpu.memory_space<hbm>> -> memref<8x2048xf32, #tpu.memory_space<hbm>>
    %dma_start3A_37 = arith.constant 0 : i32
    %dma_start3A_38 = tpu.memref_slice %arg12[%mul3A_32, %dma_start3A_37] : memref<128x2048xf32, #tpu.memory_space<vmem_shared>> -> memref<8x2048xf32, #tpu.memory_space<vmem_shared>>
    tpu.enqueue_dma source(%dma_start3A_38 : memref<8x2048xf32, #tpu.memory_space<vmem_shared>>) target(%dma_start3A_36 : memref<8x2048xf32, #tpu.memory_space<hbm>>) target_semaphore(%arg20 : memref<!tpu.dma_semaphore, #tpu.memory_space<semaphore_mem>>)
    %mul3A_39 = arith.constant 8 : i32
    %mul3A_40 = arith.muli %arg1, %mul3A_39 : i32
    %add3A_41 = arith.constant 248 : i32
    %add3A_42 = arith.addi %mul3A_2, %add3A_41 : i32
    %dma_wait3A_43 = arith.constant 0 : i32
    %dma_wait3A_44 = tpu.memref_slice %arg4[%add3A_42, %dma_wait3A_43] : memref<8192x4096xf32, #tpu.memory_space<hbm>> -> memref<8x2048xf32, #tpu.memory_space<hbm>>
    %dma_wait3A_45 = arith.constant 0 : i32
    %dma_wait3A_46 = tpu.memref_slice %arg11[%mul3A_40, %dma_wait3A_45] : memref<128x2048xf32, #tpu.memory_space<vmem_shared>> -> memref<8x2048xf32, #tpu.memory_space<vmem_shared>>
    tpu.wait_dma2 semaphore(%arg19 : memref<!tpu.dma_semaphore, #tpu.memory_space<semaphore_mem>>) src(%dma_wait3A_46 : memref<8x2048xf32, #tpu.memory_space<vmem_shared>>) dst(%dma_wait3A_44 : memref<8x2048xf32, #tpu.memory_space<hbm>>)
    %mul3A_47 = arith.constant 8 : i32
    %mul3A_48 = arith.muli %arg1, %mul3A_47 : i32
    %add3A_49 = arith.constant 248 : i32
    %add3A_50 = arith.addi %mul3A_2, %add3A_49 : i32
    %dma_wait3A_51 = arith.constant 2048 : i32
    %dma_wait3A_52 = tpu.memref_slice %arg4[%add3A_50, %dma_wait3A_51] : memref<8192x4096xf32, #tpu.memory_space<hbm>> -> memref<8x2048xf32, #tpu.memory_space<hbm>>
    %dma_wait3A_53 = arith.constant 0 : i32
    %dma_wait3A_54 = tpu.memref_slice %arg12[%mul3A_48, %dma_wait3A_53] : memref<128x2048xf32, #tpu.memory_space<vmem_shared>> -> memref<8x2048xf32, #tpu.memory_space<vmem_shared>>
    tpu.wait_dma2 semaphore(%arg20 : memref<!tpu.dma_semaphore, #tpu.memory_space<semaphore_mem>>) src(%dma_wait3A_54 : memref<8x2048xf32, #tpu.memory_space<vmem_shared>>) dst(%dma_wait3A_52 : memref<8x2048xf32, #tpu.memory_space<hbm>>)
    return
  }
}

</mosaic_0001>

<sc_bundles>
// kernel: kernel.3.cloned.1.call-start
scs
__scs_entry_jumppad:
0x0: {  	(pc) =	sbr.rel $0x88, $3  }
0x1: {  	(tag) =	ssettag $0x0;
	lr =	simm.s32 $0x1  }
0x2: {  	[smem:$0x3F9F] =	sst lr;
	_ =	strace $0xD0000000  }
0x3: {  	_ = 	snop  }
0x4: {  	_ = 	snop  }
0x5: {  	_ = 	snop  }
0x6: {  	_ = 	snop  }
0x7: {  	_ = 	snop  }
__scs_overlays_trampoline_lowered:
0x8: {  	[smem:$0x3FAE] =	sst s0  }
0x9: {  	[smem:$0x3FAF] =	sst s1  }
0xa: {  	[smem:$0x3FB0] =	sst s2  }
0xb: {  	[smem:$0x3FB1] =	sst s3  }
0xc: {  	[smem:$0x3FB2] =	sst s4  }
0xd: {  	[smem:$0x3FB3] =	sst s5  }
0xe: {  	[smem:$0x3FB4] =	sst s6  }
0xf: {  	[smem:$0x3FB5] =	sst s7  }
0x10: {  	[smem:$0x3FB6] =	sst s8  }
0x11: {  	[smem:$0x3FB7] =	sst s9;
	s0 =	simm.s32 @!p0 $0x0  }
0x12: {  	s1 =	sld [smem:$0x3F9D];
	s0 =	simm.s32 @p0 $0x1  }
0x13: {  	[smem:$0x3FB8] =	sst s0;
	s0 =	simm.s32 @!p1 $0x0  }
0x14: {  	s2 =	sld [smem:$0x3F9C];
	s0 =	simm.s32 @p1 $0x1  }
0x15: {  	[smem:$0x3FB9] =	sst s0;
	s0 =	simm.s32 @!p2 $0x0  }
0x16: {  	s3 =	sld [smem:$0x3FDB];
	s0 =	simm.s32 @p2 $0x1  }
0x17: {  	s4 =	simm.s32 $0x1BF5;
	[smem:$0x3FBB] =	sst s0  }
0x18: {  	s0 =	sld [smem:$0x3F9E];
	_ =	swait.ge [sflag:s4], $0x0  }
0x19: {  	s7 =	sld [smem:$0x3F9F]  }
0x1a: {  	s8 =	sadd.s32 $0xFFFFE003, lr  }
0x1b: {  	s9 =	sadd.s32 $0xFFFFFEF7, lr;
	s5 =	simm.s32 $0xFFFFFFFF;
	p2 =	slt.u32 s8, $0xFFFFF086  }
0x1c: {  	p1 =	slt.u32 s9, $0xF7A;
	s5 =	simm.s32 @!p2 $0x0  }
0x1d: {  	s5 =	simm.s32 @p1 $0x1;
	p0 =	seq.s32 s7, s2  }
0x1e: {  	s7 =	smul.u32 @!p0 $0xF7A, s2;
	p2 =	seq.s32 @!p0 s5, $0x0  }
0x1f: {  	s9 =	smul.u32 $0xF7A, s1;
	s8 =	simm.s32 @!p0 $0x1BF5;
	p2 =	por !p2, p0  }
0x20: {  	[sflag:s8] =	ssyncset.s32 @!p0 $0xFFFFF086;
	s6 =	sadd.s32 @!p0 s3, s7;
	s7 =	simm.s32 @!p0 $0x108  }
0x21: {  	s3 =	sadd.s32 s3, s9;
	s6 =	sadd.s32 @!p0 $0x88, s6;
	s7 =	simm.s32 @p2 $0x1082  }
0x22: {  	[simem:s7], [sflag:s8] =	dma.local @!p0 [hbm:s6], $0xF7A  }
0x23: {  	s9 =	sor.u32 $0xD0000000, s2;
	s6 =	simm.s32 $0x108;
	_ =	swait.ge @!p0 [sflag:s8], $0x0  }
0x24: {  	s3 =	sadd.s32 $0x88, s3;
	s6 =	simm.s32 @!p1 $0x1082;
	[sflag:s4] =	ssyncset.s32 $0xFFFFF086  }
0x25: {  	[simem:s6], [sflag:s4] =	dma.local [hbm:s3], $0xF7A  }
0x26: {  	[smem:$0x3F9F] =	sst s1;
	(tag) =	ssettag s2;
	_ =	strace s9  }
0x27: {  	s1 =	sld [smem:$0x3FAF]  }
0x28: {  	s2 =	sld [smem:$0x3FB0]  }
0x29: {  	s4 =	sld [smem:$0x3FB2]  }
0x2a: {  	p0 =	seq.s32 s5, $0x0;
	s5 =	sld [smem:$0x3FB3]  }
0x2b: {  	s6 =	sld [smem:$0x3FB4]  }
0x2c: {  	s7 =	sld [smem:$0x3FB5]  }
0x2d: {  	s3 =	simm.s32 $0x108;
	s8 =	sld [smem:$0x3FB6]  }
0x2e: {  	s3 =	simm.s32 @!p0 $0x1082;
	s9 =	sld [smem:$0x3FB7]  }
0x2f: {  	lr =	sadd.s32 s0, s3;
	s0 =	sld [smem:$0x3FAE]  }
0x30: {  	s3 =	sld [smem:$0x3FB1]  }
0x31: {  	[smem:$0x3FBA] =	sst s10  }
0x32: {  	s10 =	sld [smem:$0x3FB8];
	_ =	sdelay $0x3  }
0x33: {  	p0 =	seq.s32 s10, $0x1;
	s10 =	sld [smem:$0x3FBA];
	_ =	sdelay $0x3  }
0x34: {  	[smem:$0x3FBA] =	sst s10  }
0x35: {  	s10 =	sld [smem:$0x3FB9];
	_ =	sdelay $0x3  }
0x36: {  	p1 =	seq.s32 s10, $0x1;
	s10 =	sld [smem:$0x3FBA];
	_ =	sdelay $0x3  }
0x37: {  	[smem:$0x3FBA] =	sst s10  }
0x38: {  	s10 =	sld [smem:$0x3FBB]  }
0x39: {  	_ = 	snop;
	(pc) =	sbr.ind lr, $3  }
0x3a: {  	_ = 	snop  }
0x3b: {  	_ = 	snop  }
0x3c: {  	p2 =	seq.s32 s10, $0x1;
	s10 =	sld [smem:$0x3FBA]  }
0x3d: {  	_ =	shalt  }
0x3e: {  	_ =	shalt  }
0x3f: {  	_ =	shalt  }
0x40: {  	_ =	shalt  }
0x41: {  	_ =	shalt  }
0x42: {  	_ =	shalt  }
0x43: {  	_ =	shalt  }
0x44: {  	_ =	shalt  }
0x45: {  	_ =	shalt  }
0x46: {  	_ =	shalt  }
0x47: {  	_ =	shalt  }
0x48: {  	_ =	shalt  }
0x49: {  	_ =	shalt  }
0x4a: {  	_ =	shalt  }
0x4b: {  	_ =	shalt  }
0x4c: {  	_ =	shalt  }
0x4d: {  	_ =	shalt  }
0x4e: {  	_ =	shalt  }
0x4f: {  	_ =	shalt  }
0x50: {  	_ =	shalt  }
0x51: {  	_ =	shalt  }
0x52: {  	_ =	shalt  }
0x53: {  	_ =	shalt  }
0x54: {  	_ =	shalt  }
0x55: {  	_ =	shalt  }
0x56: {  	_ =	shalt  }
0x57: {  	_ =	shalt  }
0x58: {  	_ =	shalt  }
0x59: {  	_ =	shalt  }
0x5a: {  	_ =	shalt  }
0x5b: {  	_ =	shalt  }
0x5c: {  	_ =	shalt  }
0x5d: {  	_ =	shalt  }
0x5e: {  	_ =	shalt  }
0x5f: {  	_ =	shalt  }
0x60: {  	_ =	shalt  }
0x61: {  	_ =	shalt  }
0x62: {  	_ =	shalt  }
0x63: {  	_ =	shalt  }
0x64: {  	_ =	shalt  }
0x65: {  	_ =	shalt  }
0x66: {  	_ =	shalt  }
0x67: {  	_ =	shalt  }
0x68: {  	_ =	shalt  }
0x69: {  	_ =	shalt  }
0x6a: {  	_ =	shalt  }
0x6b: {  	_ =	shalt  }
0x6c: {  	_ =	shalt  }
0x6d: {  	_ =	shalt  }
0x6e: {  	_ =	shalt  }
0x6f: {  	_ =	shalt  }
0x70: {  	_ =	shalt  }
0x71: {  	_ =	shalt  }
0x72: {  	_ =	shalt  }
0x73: {  	_ =	shalt  }
0x74: {  	_ =	shalt  }
0x75: {  	_ =	shalt  }
0x76: {  	_ =	shalt  }
0x77: {  	_ =	shalt  }
0x78: {  	_ =	shalt  }
0x79: {  	_ =	shalt  }
0x7a: {  	_ =	shalt  }
0x7b: {  	_ =	shalt  }
0x7c: {  	_ =	shalt  }
0x7d: {  	_ =	shalt  }
0x7e: {  	_ =	shalt  }
0x7f: {  	_ =	shalt  }
0x80: {  	_ =	shalt  }
0x81: {  	_ =	shalt  }
0x82: {  	_ =	shalt  }
0x83: {  	_ =	shalt  }
0x84: {  	_ =	shalt  }
0x85: {  	_ =	shalt  }
0x86: {  	_ =	shalt  }
0x87: {  	_ =	shalt  }
.Lfunc_end0:
.L_simem_size_0:
called_computation_lowered:
.L_overlay_start_0:
0x88: {  	s2 =	sld [smem:$0x3FD9]  }
0x89: {  	s3 =	sld [smem:$0x3FFE];
	_ =	sdelay $0x1  }
0x8a: {  	s1 =	srdreg.scid  }
0x8b: {  	s0 =	sand.u32 $0x1, s1  }
0x8c: {  	s18 =	sshll.u32 s0, $0xA;
	s2 =	sadd.s32 s3, s2  }
0x8d: {  	s2 =	sadd.s32 s2, s18  }
0x8e: {  	[smem:$0x3FC6] =	sst s2  }
0x8f: {  	_ = 	snop  }
0x90: {  	s2 =	sld [smem:$0x3FC9]  }
0x91: {  	s19 =	sld [smem:$0x3FC8]  }
0x92: {  	s4 =	sld [smem:$0x3FD0];
	(tm) =	ssettm $0x1  }
0x93: {  	s5 =	sld [smem:$0x3FFB];
	_ =	sdelay $0x3  }
0x94: {  	_ =	strace s5  }
0x95: {  	s5 =	sld [smem:$0x3FFC];
	_ =	sdelay $0x3  }
0x96: {  	_ =	strace s5  }
0x97: {  	s5 =	sld [smem:$0x3FFD];
	_ =	sdelay $0x3  }
0x98: {  	_ =	strace s5  }
0x99: {  	_ =	strace $0x8FFFFFFF  }
0x9a: {  	s20 =	sld [smem:$0x3FDB];
	_ =	sdelay $0x1  }
0x9b: {  	s6 =	simm.s32 $_scs_section_size  }
0x9c: {  	s7 =	simm.s32 $_size__tile_overlayer_lowered;
	s8 =	simm.s32 $_tile_overlayer_lowered  }
0x9d: {  	s23 =	simm.s32 $0x1BFF;
	s22 =	sshll.u32 s8, $0x1;
	s5 =	sadd.s32 s6, s20  }
0x9e: {  	s9 =	simm.s32 $0x0;
	s21 =	sshll.u32 s7, $0x1;
	s7 =	sadd.s32 s22, s5  }
0x9f: {  	[timem:s9], [sflag:s23] =	dma.local [hbm:s7], s21  }
0xa0: {  	_ =	swait.ge [sflag:s23], s21  }
0xa1: {  	s6 =	ssub.s32 $0x0, s21;
	[sflag:s23] =	ssyncset.done $0x0  }
0xa2: {  	[sflag:s23] =	ssyncadd.s32 s6;
	_ =	sdelay $0x1  }
0xa3: {  	s24 =	simm.s32 $0x1B8B  }
0xa4: {  	_ =	swait.ge [sflag:s24], $0x1  }
0xa5: {  	[sflag:s24] =	ssyncset.done $0x0  }
0xa6: {  	s25 =	simm.s32 $0x1B8E;
	[sflag:s24] =	ssyncadd.s32 $0xFFFFFFFF  }
0xa7: {  	s26 =	simm.s32 $execute0_lowered;
	[smem:$0x3FD2] =	sst s25  }
0xa8: {  	s6 =	sshll.u32 s26, $0x1;
	_ =	strace $0x80000046;
	[dreg:$0x1] =	wrdreg $0xFFFFFFFF  }
0xa9: {  	s28 =	simm.s32 $_size_execute0_lowered;
	s5 =	sadd.s32 s5, s6;
	[dreg:$0x0] =	wrdreg $0x0  }
0xaa: {  	s6 =	sshll.u32 s28, $0x1;
	[dreg:$0x2] =	wrdreg s5  }
0xab: {  	[dreg:$0x3] =	wrdreg s6  }
0xac: {  	[dreg:$0x4] =	wrdreg $0xC0  }
0xad: {  	_ =	task [dreg:s9], $0x5FFFF  }
0xae: {  	[dreg:$0x1] =	wrdreg $0xFFFFFFFF  }
0xaf: {  	[dreg:$0x0] =	wrdreg $0x60  }
0xb0: {  	[dreg:$0x2] =	wrdreg s2  }
0xb1: {  	[dreg:$0x3] =	wrdreg s19  }
0xb2: {  	[dreg:$0x4] =	wrdreg s4  }
0xb3: {  	[dreg:$0x5] =	wrdreg $0x1C0000  }
0xb4: {  	[dreg:$0x6] =	wrdreg $0x180000  }
0xb5: {  	[dreg:$0x7] =	wrdreg $0x9  }
0xb6: {  	_ =	task.clear_ibuf [dreg:s9], $0x8FFFF;
	_ =	strace $0x90000046  }
0xb7: {  	s29 =	simm.s32 $0x9;
	_ =	strace $0x80000048  }
0xb8: {  	_ =	swait.ge [sflag:s29], $0x1  }
0xb9: {  	[sflag:s29] =	ssyncadd.s32 $0xFFFFFFFF  }
0xba: {  	_ =	strace $0x90000048  }
0xbb: {  	_ =	sfence  }
0xbc: {  	s30 =	sld [smem:$0x0];
	_ =	sdelay $0x2  }
0xbd: {  	s31 =	sshll.u32 s1, $0xD;
	s1 =	sshrl.u32 s1, $0x2  }
0xbe: {  	s3 =	sand.u32 $0x4000, s31;
	s1 =	sadd.s32 s1, s30  }
0xbf: {  	s0 =	sor.u32 s3, s0;
	s1 =	sshll.u32 s1, $0x11  }
0xc0: {  	s0 =	sor.u32 s1, s0  }
0xc1: {  	s0 =	sadd.s32 $0x8F2B, s0  }
0xc2: {  	[sflag:s0] =	ssyncadd.remote.s32 $0x1  }
0xc3: {  	_ =	sfence.sel $0xFFFF  }
0xc4: {  	[dreg:$0x0] =	wrdreg $0xFFFFFFFF;
	(pc) =	sbr.abs _section_cstart, $3  }
0xc5: {  	[dreg:$0x1] =	wrdreg $0xFFFFFFFF  }
0xc6: {  	_ =	task.clear_ibuf [dreg:s9], $0x2FFFF;
	_ =	strace $0x9FFFFFFF  }
0xc7: {  	(tm) =	ssettm $0x7FFFFFFF  }
tec
execute0_lowered:
.L_overlay_start_1:
0x0: {  	(tag) =	ssettag $0x1  }
0x1: {  	s1 =	rddreg [dreg:$0x0]  }
0x2: {  	s2 =	rddreg [dreg:$0x1]  }
0x3: {  	s14 =	rddreg [dreg:$0x2]  }
0x4: {  	s0 =	rddreg [dreg:$0x3]  }
0x5: {  	s3 =	rddreg [dreg:$0x4]  }
0x6: {  	s5 =	srdreg.scid;
	s4 =	stileid.u32;
	s8 =	simm.s32 $0x0  }
0x7: {  	s30 =	simm.s32 $0x7;
	s31 =	simm.s32 $0x8;
	s5 =	sand.u32 $0x1, s5  }
0x8: {  	s6 =	sshll.u32 s4, $0x9;
	[smem:$0x7FF] =	sst s8;
	s26 =	sshll.u32 s4, $0xE  }
0x9: {  	s12 =	sadd.s32 $0x800, s14;
	s7 =	sshll.u32 s5, $0x8;
	s5 =	ssub.s32 $0x2, s5  }
0xa: {  	_ =	strace $0x80000047;
	s6 =	sor.u32 s7, s6;
	s21 =	sshrl.u32 s5, $0x1  }
0xb: {  	s10 =	sadd.s32 s26, s0;
	s22 =	sshll.u32 s6, $0x9;
	s5 =	ssub.s32 s5, s21  }
0xc: {  	s11 =	sshrl.u32 s6, $0x3;
	s21 =	simm.s32 $0x1;
	s23 =	sadd.s32 s1, s22  }
0xd: {  	s24 =	sor.u32 $0x800, s22;
	s9 =	sadd.s32 s2, s22;
	s13 =	sor.u32 $0x1000, s22  }
0xe: {  	s28 =	sadd.s32 s22, s14;
	s14 =	sadd.s32 s26, s3;
	[dreg:$0x6] =	wrdreg s23  }
0xf: {  	s15 =	sor.u32 $0x1, s11;
	s29 =	smax.u32 s5, $0x1;
	[dreg:$0x7] =	wrdreg s9  }
0x10: {  	s22 =	simm.s32 $0x3;
	s25 =	sadd.s32 s1, s24;
	[dreg:$0xb] =	wrdreg s29  }
0x11: {  	s26 =	simm.s32 $0x5;
	s7 =	sadd.s32 s2, s24;
	[dreg:$0x8] =	wrdreg s25  }
0x12: {  	s3 =	simm.s32 $0x0;
	s0 =	sadd.s32 $0x1F800, s28;
	[dreg:$0x9] =	wrdreg s7  }
0x13: {  	s24 =	simm.s32 $0x2;
	[dreg:$0xa] =	wrdreg s0;
	s25 =	simm.s32 $0x4  }
.LBB2_1:
0x14: {  	[dreg:$0xc] =	wrdreg s3  }
0x15: {  	s0 =	simm.s32 $0x0;
	s18 =	rddreg [dreg:$0x6]  }
0x16: {  	[tilespmem:s0], [sflag:$0x1] =	stream.linear.gather [hbm4b:s18+s0], $0x4000, $0x38;
	v63 =	vld [tilespmem:$0x0]  }
0x17: {  	s19 =	rddreg [dreg:$0x7];
	s5 =	simm.s32 $0x8000  }
0x18: {  	[tilespmem:s5], [sflag:$0x3] =	stream.linear.gather [hbm4b:s19+s0], $0x4000, $0x38;
	v63 =	vld [tilespmem:$0x0]  }
0x19: {  	s20 =	rddreg [dreg:$0x8];
	s23 =	simm.s32 $0x4000  }
0x1a: {  	[tilespmem:s23], [sflag:$0x2] =	stream.linear.gather [hbm4b:s20+s0], $0x4000, $0x38;
	v63 =	vld [tilespmem:$0x0]  }
0x1b: {  	s28 =	rddreg [dreg:$0x9];
	s29 =	simm.s32 $0xC000;
	s18 =	simm.s32 $0x0  }
0x1c: {  	[tilespmem:s29], [sflag:$0x4] =	stream.linear.gather [hbm4b:s28+s0], $0x4000, $0x38;
	v63 =	vld [tilespmem:$0x0]  }
.LBB2_2:
0x1d: {  	p0 =	seq.s32 s18, $0x0  }
0x1e: {  	s0 =	sshll.u32 @!p0 s18, $0x1  }
0x1f: {  	_ =	swait.ge [sflag:s21], $0x4000;
	s0 =	sadd.s32 @!p0 $0xFFFFFFFF, s0  }
0x20: {  	[sflag:s21] =	ssyncset.done $0x0;
	s3 =	sand.u32 @!p0 $0x80, s0  }
0x21: {  	s6 =	simm.s32 $0x0;
	[sflag:s21] =	ssyncadd.s32 $0xFFFFC000;
	s3 =	sshrl.u32 @!p0 s3, $0x7  }
0x22: {  	s5 =	simm.s32 @!p0 $0x6;
	_ =	swait.ge [sflag:s22], $0x4000;
	s3 =	sadd.s32 @!p0 s3, s0  }
0x23: {  	[sflag:s22] =	ssyncset.done $0x0;
	s0 =	sshra.s32 @!p0 s0, $0x1F;
	s3 =	sshll.u32 @!p0 s3, $0x18  }
0x24: {  	[sflag:s22] =	ssyncadd.s32 $0xFFFFC000;
	s0 =	sadd.s32 @!p0 s11, s0;
	s3 =	sshra.s32 @!p0 s3, $0x19  }
0x25: {  	s7 =	sand.u32 $0x60, s6;
	_ =	swait.ge @!p0 [sflag:s5], $0x4000;
	s0 =	sadd.s32 @!p0 s3, s0  }
0x26: {  	s8 =	sand.u32 $0x3C00, s6;
	[sflag:s5] =	ssyncset.done @!p0 $0x0;
	s0 =	sshll.u32 @!p0 s0, $0xC  }
0x27: {  	[sflag:s5] =	ssyncadd.s32 @!p0 $0xFFFFC000;
	s3 =	sshll.u32 @!p0 s4, $0x6;
	s0 =	sand.u32 @!p0 $0x1FFFF000, s0  }
0x28: {  	s5 =	sshrl.u32 @!p0 s10, $0x3;
	s3 =	sor.u32 @!p0 $0x1C08, s3;
	s0 =	sadd.s32 @!p0 s0, s12  }
0x29: {  	[hbm:s0], [sflag:s3] =	dma.local @!p0 [spmem:s5], $0x800  }
0x2a: {  	s5 =	sor.u32 s7, s8  }
0x2b: {  	v0 =	vld [tilespmem:s5+$0x10]  }
0x2c: {  	v1 =	vld [tilespmem:s5+$0x8010]  }
0x2d: {  	v2 =	vld [tilespmem:s5+$0x90]  }
0x2e: {  	v3 =	vld [tilespmem:s5+$0x8090]  }
0x2f: {  	v4 =	vld [tilespmem:s5+$0x110]  }
0x30: {  	v5 =	vld [tilespmem:s5+$0x8110]  }
0x31: {  	v6 =	vld [tilespmem:s5+$0x190]  }
0x32: {  	v7 =	vld [tilespmem:s5+$0x8190]  }
0x33: {  	v8 =	vld [tilespmem:s5+$0x210]  }
0x34: {  	v9 =	vld [tilespmem:s5+$0x8210]  }
0x35: {  	v10 =	vld [tilespmem:s5+$0x290]  }
0x36: {  	s0 =	sand.u32 $0x3, s6;
	v59 =	vld [tilespmem:s5+$0x8180]  }
0x37: {  	s0 =	sshll.u32 s0, $0x5;
	v60 =	vld [tilespmem:s5+$0x200]  }
0x38: {  	s17 =	simm.s32 $0x20;
	v11 =	vld [tilespmem:s5+$0x8200];
	s6 =	sadd.s32 $0x0, s0  }
0x39: {  	s16 =	simm.s32 $0x100;
	s3 =	sand.u32 $0x60, s17;
	v12 =	vld [tilespmem:s5+$0x8280];
	s0 =	sadd.s32 $0x10, s6  }
0x3a: {  	s9 =	sor.u32 $0x300, s0;
	s8 =	sor.u32 $0x380, s0;
	s0 =	sand.u32 $0x3C00, s16;
	v0 =	vadd.f32 v1, v0;
	v1 =	vld [tilespmem:s5+$0x8290]  }
0x3b: {  	s7 =	sor.u32 s3, s0;
	v2 =	vadd.f32 v3, v2;
	v3 =	vld [tilespmem:s5+$0x0]  }
0x3c: {  	v14 =	vld [tilespmem:s7+$0x10]  }
0x3d: {  	v15 =	vld [tilespmem:s7+$0x8010]  }
0x3e: {  	v16 =	vld [tilespmem:s7+$0x90]  }
0x3f: {  	v17 =	vld [tilespmem:s7+$0x8090]  }
0x40: {  	v18 =	vld [tilespmem:s7+$0x110]  }
0x41: {  	v19 =	vld [tilespmem:s7+$0x8110]  }
0x42: {  	v20 =	vld [tilespmem:s7+$0x190]  }
0x43: {  	v21 =	vld [tilespmem:s7+$0x8190]  }
0x44: {  	v22 =	vld [tilespmem:s7+$0x210]  }
0x45: {  	v23 =	vld [tilespmem:s7+$0x8210]  }
0x46: {  	v24 =	vld [tilespmem:s7+$0x290]  }
0x47: {  	v61 =	vld [tilespmem:s7+$0x8290]  }
0x48: {  	v25 =	vld [tilespmem:s7+$0x0]  }
0x49: {  	v62 =	vld [tilespmem:s7+$0x8000]  }
0x4a: {  	v29 =	vld [tilespmem:s7+$0x80]  }
0x4b: {  	v31 =	vld [tilespmem:s7+$0x8080]  }
0x4c: {  	v33 =	vld [tilespmem:s7+$0x100]  }
0x4d: {  	s19 =	simm.s32 $0x1;
	v34 =	vld [tilespmem:s7+$0x8100]  }
0x4e: {  	s17 =	simm.s32 $0x200;
	s0 =	sand.u32 $0x3, s19;
	s19 =	simm.s32 $0x40;
	[tilespmem:s5+$0x10010] =	vst v0;
	v0 =	vadd.f32 v5, v4;
	v4 =	vld [tilespmem:s5+$0x8000]  }
0x4f: {  	s28 =	sand.u32 $0x3C00, s17;
	s23 =	sand.u32 $0x60, s19;
	v5 =	vld [tilespmem:s5+$0x80]  }
0x50: {  	s19 =	sor.u32 s23, s28;
	[tilespmem:s5+$0x10090] =	vst v2;
	v2 =	vadd.f32 v7, v6;
	v7 =	vld [tilespmem:s5+$0x8100]  }
0x51: {  	v36 =	vld [tilespmem:s19+$0x10]  }
0x52: {  	v37 =	vld [tilespmem:s19+$0x8010]  }
0x53: {  	v38 =	vld [tilespmem:s19+$0x90]  }
0x54: {  	v39 =	vld [tilespmem:s19+$0x8090]  }
0x55: {  	v40 =	vld [tilespmem:s19+$0x110]  }
0x56: {  	v41 =	vld [tilespmem:s19+$0x8110]  }
0x57: {  	v42 =	vld [tilespmem:s19+$0x190]  }
0x58: {  	v43 =	vld [tilespmem:s19+$0x8190]  }
0x59: {  	v44 =	vld [tilespmem:s19+$0x210]  }
0x5a: {  	v26 =	vld [tilespmem:s19+$0x8210];
	[tilespmem:s5+$0x10110] =	vst v0;
	v0 =	vadd.f32 v9, v8  }
0x5b: {  	v45 =	vld [tilespmem:s19+$0x290];
	[tilespmem:s5+$0x10190] =	vst v2;
	v1 =	vadd.f32 v1, v10  }
0x5c: {  	v46 =	vld [tilespmem:s19+$0x8290];
	[tilespmem:s5+$0x10210] =	vst v0  }
0x5d: {  	v47 =	vld [tilespmem:s19+$0x0];
	[tilespmem:s5+$0x10290] =	vst v1  }
0x5e: {  	v1 =	vld [tilespmem:s9+$0x0]  }
0x5f: {  	v14 =	vadd.f32 v15, v14;
	v6 =	vld [tilespmem:s9+$0x8000]  }
0x60: {  	v49 =	vld [tilespmem:s19+$0x8000];
	v16 =	vadd.f32 v17, v16  }
0x61: {  	v50 =	vld [tilespmem:s19+$0x80];
	v28 =	vadd.f32 v19, v18;
	[tilespmem:s7+$0x10010] =	vst v14  }
0x62: {  	v52 =	vld [tilespmem:s19+$0x8080];
	v30 =	vadd.f32 v21, v20;
	[tilespmem:s7+$0x10090] =	vst v16  }
0x63: {  	v55 =	vld [tilespmem:s19+$0x100];
	v32 =	vadd.f32 v23, v22;
	[tilespmem:s7+$0x10110] =	vst v28  }
0x64: {  	v2 =	vld [tilespmem:s5+$0x8080];
	[tilespmem:s7+$0x10190] =	vst v30;
	v1 =	vadd.f32 v6, v1  }
0x65: {  	v8 =	vld [tilespmem:s5+$0x180];
	v15 =	vadd.f32 v61, v24;
	[tilespmem:s7+$0x10210] =	vst v32  }
0x66: {  	v17 =	vadd.f32 v62, v25;
	v0 =	vld [tilespmem:s5+$0x100];
	[tilespmem:s9+$0x10000] =	vst v1  }
0x67: {  	v3 =	vadd.f32 v4, v3;
	[tilespmem:s7+$0x10290] =	vst v15;
	v1 =	vld [tilespmem:s8+$0x0]  }
0x68: {  	[tilespmem:s7+$0x10000] =	vst v17;
	v48 =	vadd.f32 v39, v38;
	v13 =	vld [tilespmem:s8+$0x8000]  }
0x69: {  	v56 =	vld [tilespmem:s19+$0x8100];
	v51 =	vadd.f32 v43, v42;
	[tilespmem:s5+$0x10000] =	vst v3  }
0x6a: {  	s0 =	sshll.u32 s0, $0x5;
	v58 =	vld [tilespmem:s19+$0x180];
	v2 =	vadd.f32 v2, v5;
	[tilespmem:s19+$0x10090] =	vst v48  }
0x6b: {  	[tilespmem:s19+$0x10190] =	vst v51;
	v0 =	vadd.f32 v7, v0;
	v6 =	vld [tilespmem:s5+$0x280];
	s9 =	sadd.s32 $0x100, s0  }
0x6c: {  	v61 =	vld [tilespmem:s19+$0x8180];
	[tilespmem:s5+$0x10080] =	vst v2;
	v2 =	vadd.f32 v59, v8;
	s20 =	sadd.s32 $0x10, s9  }
0x6d: {  	v4 =	vld [tilespmem:s7+$0x180];
	[tilespmem:s5+$0x10100] =	vst v0;
	s16 =	sor.u32 $0x300, s20;
	v1 =	vadd.f32 v13, v1  }
0x6e: {  	v0 =	vadd.f32 v11, v60;
	[tilespmem:s5+$0x10180] =	vst v2;
	v5 =	vld [tilespmem:s16+$0x0]  }
0x6f: {  	v3 =	vld [tilespmem:s16+$0x8000];
	[tilespmem:s8+$0x10000] =	vst v1;
	v1 =	vadd.f32 v37, v36  }
0x70: {  	v7 =	vld [tilespmem:s7+$0x8180];
	[tilespmem:s5+$0x10200] =	vst v0;
	v2 =	vadd.f32 v12, v6  }
0x71: {  	v8 =	vld [tilespmem:s7+$0x200];
	[tilespmem:s19+$0x10010] =	vst v1;
	v1 =	vadd.f32 v41, v40  }
0x72: {  	v54 =	vadd.f32 v46, v45;
	v0 =	vld [tilespmem:s7+$0x280];
	[tilespmem:s5+$0x10280] =	vst v2;
	s5 =	sor.u32 $0x380, s20;
	s20 =	simm.s32 $0x2  }
0x73: {  	v6 =	vld [tilespmem:s7+$0x8200];
	s17 =	sand.u32 $0x3, s20;
	[tilespmem:s19+$0x10110] =	vst v1;
	v1 =	vadd.f32 v26, v44  }
0x74: {  	[tilespmem:s19+$0x10290] =	vst v54;
	s0 =	sor.u32 $0x300, s6;
	v2 =	vld [tilespmem:s7+$0x8280];
	s3 =	sshll.u32 s17, $0x5;
	v3 =	vadd.f32 v3, v5  }
0x75: {  	v5 =	vld [tilespmem:s0+$0x0];
	s3 =	sadd.s32 $0x200, s3;
	[tilespmem:s19+$0x10210] =	vst v1;
	v1 =	vadd.f32 v49, v47  }
0x76: {  	v57 =	vadd.f32 v31, v29;
	s23 =	sadd.s32 $0x10, s3;
	[tilespmem:s16+$0x10000] =	vst v3;
	v3 =	vld [tilespmem:s0+$0x8000]  }
0x77: {  	s28 =	sor.u32 $0x300, s23;
	v35 =	vld [tilespmem:s5+$0x0];
	[tilespmem:s19+$0x10000] =	vst v1;
	v1 =	vadd.f32 v52, v50  }
0x78: {  	[tilespmem:s7+$0x10080] =	vst v57;
	v60 =	vadd.f32 v34, v33;
	v59 =	vld [tilespmem:s28+$0x0]  }
0x79: {  	v4 =	vadd.f32 v7, v4;
	[tilespmem:s19+$0x10080] =	vst v1;
	v1 =	vld [tilespmem:s28+$0x8000]  }
0x7a: {  	[tilespmem:s7+$0x10100] =	vst v60;
	v7 =	vadd.f32 v56, v55;
	v53 =	vld [tilespmem:s5+$0x8000]  }
0x7b: {  	v62 =	vld [tilespmem:s19+$0x200];
	[tilespmem:s7+$0x10180] =	vst v4;
	v4 =	vadd.f32 v6, v8  }
0x7c: {  	[tilespmem:s19+$0x10100] =	vst v7;
	v6 =	vld [tilespmem:s19+$0x8200];
	v2 =	vadd.f32 v2, v0  }
0x7d: {  	[tilespmem:s7+$0x10200] =	vst v4;
	v0 =	vld [tilespmem:s19+$0x280];
	v4 =	vadd.f32 v3, v5  }
0x7e: {  	s8 =	sor.u32 $0x300, s9;
	[tilespmem:s7+$0x10280] =	vst v2;
	v3 =	vld [tilespmem:s19+$0x8280];
	v2 =	vadd.f32 v1, v59  }
0x7f: {  	v5 =	vld [tilespmem:s8+$0x8000];
	v7 =	vadd.f32 v53, v35;
	[tilespmem:s0+$0x10000] =	vst v4  }
0x80: {  	s6 =	sor.u32 $0x380, s6;
	v4 =	vadd.f32 v61, v58;
	s0 =	sor.u32 $0x380, s23;
	v1 =	vld [tilespmem:s8+$0x0];
	[tilespmem:s28+$0x10000] =	vst v2  }
0x81: {  	s17 =	simm.s32 $0x60;
	s29 =	sor.u32 $0x380, s3;
	s16 =	simm.s32 $0x300;
	v6 =	vadd.f32 v6, v62;
	[tilespmem:s5+$0x10000] =	vst v7;
	v2 =	vld [tilespmem:s0+$0x0]  }
0x82: {  	s7 =	sor.u32 $0x380, s9;
	s9 =	simm.s32 $0x4;
	s5 =	sor.u32 $0x300, s3;
	[tilespmem:s19+$0x10180] =	vst v4;
	v4 =	vld [tilespmem:s0+$0x8000]  }
.LBB2_3:
0x83: {  	s3 =	sand.u32 $0x60, s17;
	s23 =	sand.u32 $0x3C00, s16;
	[tilespmem:s19+$0x10200] =	vst v6;
	v0 =	vadd.f32 v3, v0;
	v3 =	vld [tilespmem:s6+$0x0]  }
0x84: {  	s3 =	sor.u32 s3, s23;
	v6 =	vld [tilespmem:s6+$0x8000]  }
0x85: {  	v7 =	vld [tilespmem:s3+$0x10];
	[tilespmem:s19+$0x10280] =	vst v0;
	v0 =	vadd.f32 v5, v1;
	s19 =	smov.u32 s3  }
0x86: {  	v1 =	vld [tilespmem:s19+$0x8010]  }
0x87: {  	v5 =	vld [tilespmem:s19+$0x90];
	v2 =	vadd.f32 v4, v2;
	[tilespmem:s8+$0x10000] =	vst v0;
	s8 =	smov.u32 s5  }
0x88: {  	v0 =	vld [tilespmem:s19+$0x8090]  }
0x89: {  	v4 =	vld [tilespmem:s19+$0x110];
	[tilespmem:s0+$0x10000] =	vst v2;
	v2 =	vadd.f32 v6, v3  }
0x8a: {  	v3 =	vld [tilespmem:s19+$0x8110]  }
0x8b: {  	v6 =	vld [tilespmem:s19+$0x190];
	[tilespmem:s6+$0x10000] =	vst v2;
	s6 =	smov.u32 s7;
	s7 =	smov.u32 s29  }
0x8c: {  	v2 =	vld [tilespmem:s19+$0x8190]  }
0x8d: {  	v8 =	vld [tilespmem:s19+$0x210]  }
0x8e: {  	v9 =	vld [tilespmem:s19+$0x8210]  }
0x8f: {  	v10 =	vld [tilespmem:s19+$0x290]  }
0x90: {  	s9 =	sadd.s32 $0x2, s9;
	v1 =	vadd.f32 v1, v7;
	v7 =	vld [tilespmem:s19+$0x8290]  }
0x91: {  	p0 =	slt.u32 s9, $0x7E;
	v0 =	vadd.f32 v0, v5;
	v11 =	vld [tilespmem:s19+$0x0]  }
0x92: {  	s20 =	sadd.s32 $0x1, s20;
	v5 =	vld [tilespmem:s19+$0x8000];
	[tilespmem:s19+$0x10010] =	vst v1;
	v1 =	vadd.f32 v3, v4  }
0x93: {  	s0 =	sand.u32 $0x3, s20;
	v3 =	vld [tilespmem:s19+$0x80];
	[tilespmem:s19+$0x10090] =	vst v0;
	v0 =	vadd.f32 v2, v6  }
0x94: {  	s0 =	sshll.u32 s0, $0x5;
	v2 =	vld [tilespmem:s19+$0x8080];
	[tilespmem:s19+$0x10110] =	vst v1;
	v1 =	vadd.f32 v9, v8  }
0x95: {  	s0 =	sadd.s32 s0, s16;
	v4 =	vld [tilespmem:s19+$0x100];
	[tilespmem:s19+$0x10190] =	vst v0;
	v0 =	vadd.f32 v7, v10  }
0x96: {  	s5 =	sor.u32 $0x300, s0;
	s29 =	sor.u32 $0x380, s0;
	s0 =	sadd.s32 $0x10, s0;
	v6 =	vld [tilespmem:s19+$0x8100];
	[tilespmem:s19+$0x10210] =	vst v1  }
0x97: {  	s3 =	sor.u32 $0x300, s0;
	v1 =	vadd.f32 v5, v11;
	v5 =	vld [tilespmem:s19+$0x180];
	[tilespmem:s19+$0x10290] =	vst v0  }
0x98: {  	v7 =	vld [tilespmem:s3+$0x0]  }
0x99: {  	[tilespmem:s19+$0x10000] =	vst v1;
	v0 =	vadd.f32 v2, v3;
	v1 =	vld [tilespmem:s3+$0x8000]  }
0x9a: {  	v2 =	vld [tilespmem:s19+$0x8180]  }
0x9b: {  	[tilespmem:s19+$0x10080] =	vst v0;
	v0 =	vadd.f32 v6, v4;
	v4 =	vld [tilespmem:s19+$0x200]  }
0x9c: {  	v6 =	vld [tilespmem:s19+$0x8200]  }
0x9d: {  	[tilespmem:s19+$0x10100] =	vst v0;
	v0 =	vld [tilespmem:s19+$0x280]  }
.Ltmp0:
0x9e: {  	v3 =	vld [tilespmem:s19+$0x8280];
	v7 =	vadd.f32 v1, v7;
	(pc) =	sbr.rel @p0 .LBB2_3-.Ltmp0, $4  }
0x9f: {  	v2 =	vadd.f32 v2, v5;
	v1 =	vld [tilespmem:s8+$0x0]  }
0xa0: {  	s0 =	sor.u32 $0x380, s0;
	[tilespmem:s3+$0x10000] =	vst v7;
	v5 =	vld [tilespmem:s8+$0x8000]  }
0xa1: {  	[tilespmem:s19+$0x10180] =	vst v2;
	v6 =	vadd.f32 v6, v4;
	v2 =	vld [tilespmem:s0+$0x0]  }
0xa2: {  	s17 =	sadd.s32 $0x20, s17;
	s16 =	sadd.s32 $0x100, s16;
	v4 =	vld [tilespmem:s0+$0x8000]  }
0xa3: {  	v0 =	vadd.f32 v3, v0  }
0xa4: {  	[tilespmem:s19+$0x10200] =	vst v6  }
0xa5: {  	[tilespmem:s19+$0x10280] =	vst v0  }
0xa6: {  	v0 =	vld [tilespmem:s5+$0x0]  }
0xa7: {  	v3 =	vld [tilespmem:s5+$0x8000];
	_ =	sdelay $0x2  }
0xa8: {  	v1 =	vadd.f32 v5, v1  }
0xa9: {  	v6 =	vld [tilespmem:s6+$0x8000]  }
0xaa: {  	v5 =	vld [tilespmem:s6+$0x0];
	[tilespmem:s8+$0x10000] =	vst v1;
	v0 =	vadd.f32 v3, v0  }
0xab: {  	v1 =	vld [tilespmem:s7+$0x0]  }
0xac: {  	v3 =	vld [tilespmem:s7+$0x8000];
	[tilespmem:s5+$0x10000] =	vst v0  }
0xad: {  	v0 =	vld [tilespmem:s29+$0x0]  }
0xae: {  	v7 =	vld [tilespmem:s29+$0x8000];
	_ =	sdelay $0x1  }
0xaf: {  	v2 =	vadd.f32 v4, v2  }
0xb0: {  	v4 =	vadd.f32 v6, v5  }
0xb1: {  	p0 =	seq.s32 s18, $0x1F;
	[tilespmem:s0+$0x10000] =	vst v2;
	v1 =	vadd.f32 v3, v1  }
0xb2: {  	s0 =	sshll.u32 @!p0 s18, $0xC;
	[tilespmem:s6+$0x10000] =	vst v4;
	v0 =	vadd.f32 v7, v0  }
0xb3: {  	s0 =	sadd.s32 @!p0 s0, s13;
	[tilespmem:s7+$0x10000] =	vst v1  }
0xb4: {  	p1 =	seq.s32 @!p0 s18, $0x0;
	s3 =	sadd.s32 @!p0 s1, s0;
	s5 =	simm.s32 @!p0 $0x0;
	[tilespmem:s29+$0x10000] =	vst v0  }
0xb5: {  	[tilespmem:s5], [sflag:$0x1] =	stream.linear.gather @!p0 [hbm4b:s3+s5], $0x4000, $0x38;
	v63 =	vld [tilespmem:$0x0]  }
0xb6: {  	p1 =	por p0, !p1;
	s0 =	sadd.s32 @!p0 s2, s0;
	s3 =	simm.s32 @!p0 $0x8000  }
0xb7: {  	[tilespmem:s3], [sflag:$0x3] =	stream.linear.gather @!p0 [hbm4b:s0+s5], $0x4000, $0x38;
	v63 =	vld [tilespmem:$0x0]  }
0xb8: {  	_ =	swait.ge @p1 [sflag:s30], $0x800  }
0xb9: {  	[sflag:s30] =	ssyncset.done @p1 $0x0  }
0xba: {  	s20 =	simm.s32 $0x10000;
	[sflag:s30] =	ssyncadd.s32 @p1 $0xFFFFF800  }
0xbb: {  	[spmem:s14] =	stream.linear.scatter [tilespmem:s20], [sflag:$0x5], $0x4000, $0x38;
	v63 =	vld [tilespmem:$0x0]  }
0xbc: {  	_ =	swait.ge [sflag:s24], $0x4000  }
0xbd: {  	[sflag:s24] =	ssyncset.done $0x0  }
0xbe: {  	[sflag:s24] =	ssyncadd.s32 $0xFFFFC000  }
0xbf: {  	_ =	swait.ge [sflag:s25], $0x4000  }
0xc0: {  	[sflag:s25] =	ssyncset.done $0x0  }
0xc1: {  	[sflag:s25] =	ssyncadd.s32 $0xFFFFC000  }
0xc2: {  	_ =	swait.ge [sflag:s26], $0x4000  }
0xc3: {  	s23 =	sadd.s32 s11, s18;
	s19 =	sshll.u32 s4, $0x6;
	[sflag:s26] =	ssyncset.done $0x0  }
0xc4: {  	s6 =	sshrl.u32 s14, $0x3;
	s7 =	simm.s32 $0x0;
	[sflag:s26] =	ssyncadd.s32 $0xFFFFC000  }
0xc5: {  	s8 =	sand.u32 $0x60, s7;
	s0 =	sshll.u32 s23, $0xC;
	s28 =	rddreg [dreg:$0x2]  }
0xc6: {  	s9 =	sand.u32 $0x3C00, s7;
	s5 =	sor.u32 $0x1C07, s19;
	s0 =	sadd.s32 s28, s0  }
0xc7: {  	[hbm:s0], [sflag:s5] =	dma.local [spmem:s6], $0x800  }
0xc8: {  	s5 =	sor.u32 s8, s9  }
0xc9: {  	v0 =	vld [tilespmem:s5+$0x4010]  }
0xca: {  	v1 =	vld [tilespmem:s5+$0xC010]  }
0xcb: {  	v2 =	vld [tilespmem:s5+$0x4090]  }
0xcc: {  	v3 =	vld [tilespmem:s5+$0xC090]  }
0xcd: {  	v4 =	vld [tilespmem:s5+$0x4110]  }
0xce: {  	v5 =	vld [tilespmem:s5+$0xC110]  }
0xcf: {  	v6 =	vld [tilespmem:s5+$0x4190]  }
0xd0: {  	v7 =	vld [tilespmem:s5+$0xC190]  }
0xd1: {  	v8 =	vld [tilespmem:s5+$0x4210]  }
0xd2: {  	v9 =	vld [tilespmem:s5+$0xC210]  }
0xd3: {  	v10 =	vld [tilespmem:s5+$0x4290]  }
0xd4: {  	s0 =	sand.u32 $0x3, s7;
	v59 =	vld [tilespmem:s5+$0xC180]  }
0xd5: {  	s0 =	sshll.u32 s0, $0x5;
	v60 =	vld [tilespmem:s5+$0x4200]  }
0xd6: {  	s20 =	simm.s32 $0x20;
	v11 =	vld [tilespmem:s5+$0xC200];
	s7 =	sadd.s32 $0x0, s0  }
0xd7: {  	s17 =	simm.s32 $0x100;
	s3 =	sand.u32 $0x60, s20;
	v12 =	vld [tilespmem:s5+$0xC280];
	s0 =	sadd.s32 $0x10, s7  }
0xd8: {  	s16 =	sor.u32 $0x300, s0;
	s6 =	sor.u32 $0x380, s0;
	s0 =	sand.u32 $0x3C00, s17;
	v0 =	vadd.f32 v1, v0;
	v1 =	vld [tilespmem:s5+$0xC290]  }
0xd9: {  	s8 =	sor.u32 s3, s0;
	v2 =	vadd.f32 v3, v2;
	v3 =	vld [tilespmem:s5+$0x4000]  }
0xda: {  	v14 =	vld [tilespmem:s8+$0x4010]  }
0xdb: {  	v15 =	vld [tilespmem:s8+$0xC010]  }
0xdc: {  	v16 =	vld [tilespmem:s8+$0x4090]  }
0xdd: {  	v17 =	vld [tilespmem:s8+$0xC090]  }
0xde: {  	v18 =	vld [tilespmem:s8+$0x4110]  }
0xdf: {  	v19 =	vld [tilespmem:s8+$0xC110]  }
0xe0: {  	v20 =	vld [tilespmem:s8+$0x4190]  }
0xe1: {  	v21 =	vld [tilespmem:s8+$0xC190]  }
0xe2: {  	v22 =	vld [tilespmem:s8+$0x4210]  }
0xe3: {  	v23 =	vld [tilespmem:s8+$0xC210]  }
0xe4: {  	v24 =	vld [tilespmem:s8+$0x4290]  }
0xe5: {  	v61 =	vld [tilespmem:s8+$0xC290]  }
0xe6: {  	v25 =	vld [tilespmem:s8+$0x4000];
	[tilespmem:s5+$0x14010] =	vst v0;
	v0 =	vadd.f32 v5, v4  }
0xe7: {  	v62 =	vld [tilespmem:s8+$0xC000];
	[tilespmem:s5+$0x14090] =	vst v2;
	v2 =	vadd.f32 v7, v6  }
0xe8: {  	v29 =	vld [tilespmem:s8+$0x4080];
	[tilespmem:s5+$0x14110] =	vst v0;
	v0 =	vadd.f32 v9, v8  }
0xe9: {  	v31 =	vld [tilespmem:s8+$0xC080];
	[tilespmem:s5+$0x14190] =	vst v2;
	v1 =	vadd.f32 v1, v10  }
0xea: {  	v33 =	vld [tilespmem:s8+$0x4100];
	[tilespmem:s5+$0x14210] =	vst v0  }
0xeb: {  	v34 =	vld [tilespmem:s8+$0xC100];
	[tilespmem:s5+$0x14290] =	vst v1  }
0xec: {  	v1 =	vld [tilespmem:s16+$0x4000]  }
0xed: {  	v6 =	vld [tilespmem:s16+$0xC000]  }
0xee: {  	v4 =	vld [tilespmem:s5+$0xC000];
	v14 =	vadd.f32 v15, v14  }
0xef: {  	v7 =	vld [tilespmem:s5+$0xC100];
	v16 =	vadd.f32 v17, v16  }
0xf0: {  	v28 =	vadd.f32 v19, v18;
	v0 =	vld [tilespmem:s5+$0x4100];
	[tilespmem:s8+$0x14010] =	vst v14  }
0xf1: {  	s23 =	simm.s32 $0x1;
	v5 =	vld [tilespmem:s5+$0x4080];
	v30 =	vadd.f32 v21, v20;
	[tilespmem:s8+$0x14090] =	vst v16  }
0xf2: {  	s0 =	sand.u32 $0x3, s23;
	v2 =	vld [tilespmem:s5+$0xC080];
	[tilespmem:s8+$0x14110] =	vst v28;
	v1 =	vadd.f32 v6, v1  }
0xf3: {  	s0 =	sshll.u32 s0, $0x5;
	v8 =	vld [tilespmem:s5+$0x4180];
	v32 =	vadd.f32 v23, v22;
	[tilespmem:s8+$0x14190] =	vst v30  }
0xf4: {  	v15 =	vadd.f32 v61, v24;
	v3 =	vadd.f32 v4, v3;
	v4 =	vld [tilespmem:s8+$0x4180];
	[tilespmem:s16+$0x14000] =	vst v1;
	s16 =	sadd.s32 $0x100, s0  }
0xf5: {  	[tilespmem:s8+$0x14210] =	vst v32;
	v0 =	vadd.f32 v7, v0;
	v7 =	vld [tilespmem:s8+$0xC180];
	s28 =	sadd.s32 $0x10, s16  }
0xf6: {  	[tilespmem:s8+$0x14290] =	vst v15;
	v6 =	vld [tilespmem:s5+$0x4280];
	s9 =	sor.u32 $0x300, s28  }
0xf7: {  	v2 =	vadd.f32 v2, v5;
	[tilespmem:s5+$0x14000] =	vst v3;
	v5 =	vld [tilespmem:s9+$0x4000]  }
0xf8: {  	[tilespmem:s5+$0x14100] =	vst v0;
	v0 =	vadd.f32 v11, v60;
	v3 =	vld [tilespmem:s9+$0xC000]  }
0xf9: {  	[tilespmem:s5+$0x14080] =	vst v2;
	v2 =	vadd.f32 v59, v8;
	v8 =	vld [tilespmem:s8+$0x4200]  }
0xfa: {  	[tilespmem:s5+$0x14200] =	vst v0;
	v0 =	vld [tilespmem:s8+$0x4280]  }
0xfb: {  	v1 =	vld [tilespmem:s6+$0x4000]  }
0xfc: {  	[tilespmem:s5+$0x14180] =	vst v2;
	v13 =	vld [tilespmem:s6+$0xC000];
	v2 =	vadd.f32 v12, v6  }
0xfd: {  	v6 =	vld [tilespmem:s8+$0xC200];
	v3 =	vadd.f32 v3, v5  }
0xfe: {  	s20 =	simm.s32 $0x40;
	s17 =	simm.s32 $0x200;
	s0 =	sor.u32 $0x300, s7;
	[tilespmem:s5+$0x14280] =	vst v2;
	v2 =	vld [tilespmem:s8+$0xC280]  }
0xff: {  	v5 =	vld [tilespmem:s0+$0x4000];
	[tilespmem:s9+$0x14000] =	vst v3;
	s9 =	sand.u32 $0x60, s20;
	s20 =	sand.u32 $0x3C00, s17  }
0x100: {  	v3 =	vld [tilespmem:s0+$0xC000];
	s20 =	sor.u32 s9, s20  }
0x101: {  	v36 =	vld [tilespmem:s20+$0x4010]  }
0x102: {  	v37 =	vld [tilespmem:s20+$0xC010]  }
0x103: {  	v38 =	vld [tilespmem:s20+$0x4090]  }
0x104: {  	v39 =	vld [tilespmem:s20+$0xC090]  }
0x105: {  	v40 =	vld [tilespmem:s20+$0x4110]  }
0x106: {  	v41 =	vld [tilespmem:s20+$0xC110]  }
0x107: {  	v42 =	vld [tilespmem:s20+$0x4190]  }
0x108: {  	v43 =	vld [tilespmem:s20+$0xC190]  }
0x109: {  	v44 =	vld [tilespmem:s20+$0x4210]  }
0x10a: {  	v26 =	vld [tilespmem:s20+$0xC210]  }
0x10b: {  	v1 =	vadd.f32 v13, v1;
	v45 =	vld [tilespmem:s20+$0x4290]  }
0x10c: {  	v17 =	vadd.f32 v62, v25;
	v46 =	vld [tilespmem:s20+$0xC290]  }
0x10d: {  	[tilespmem:s6+$0x14000] =	vst v1;
	v47 =	vld [tilespmem:s20+$0x4000];
	v1 =	vadd.f32 v37, v36  }
0x10e: {  	[tilespmem:s8+$0x14000] =	vst v17;
	v49 =	vld [tilespmem:s20+$0xC000];
	v48 =	vadd.f32 v39, v38  }
0x10f: {  	v50 =	vld [tilespmem:s20+$0x4080];
	[tilespmem:s20+$0x14010] =	vst v1;
	v1 =	vadd.f32 v41, v40  }
0x110: {  	s5 =	sor.u32 $0x380, s28;
	s6 =	simm.s32 $0x2;
	v52 =	vld [tilespmem:s20+$0xC080];
	v51 =	vadd.f32 v43, v42;
	[tilespmem:s20+$0x14090] =	vst v48  }
0x111: {  	s23 =	sand.u32 $0x3, s6;
	v35 =	vld [tilespmem:s5+$0x4000];
	[tilespmem:s20+$0x14110] =	vst v1;
	v1 =	vadd.f32 v26, v44  }
0x112: {  	s3 =	sshll.u32 s23, $0x5;
	v53 =	vld [tilespmem:s5+$0xC000];
	v54 =	vadd.f32 v46, v45;
	[tilespmem:s20+$0x14190] =	vst v51  }
0x113: {  	s28 =	sadd.s32 $0x200, s3;
	v55 =	vld [tilespmem:s20+$0x4100];
	[tilespmem:s20+$0x14210] =	vst v1;
	v1 =	vadd.f32 v49, v47  }
0x114: {  	v57 =	vadd.f32 v31, v29;
	v56 =	vld [tilespmem:s20+$0xC100];
	s3 =	sadd.s32 $0x10, s28;
	[tilespmem:s20+$0x14290] =	vst v54  }
0x115: {  	v58 =	vld [tilespmem:s20+$0x4180];
	s23 =	sor.u32 $0x300, s3;
	[tilespmem:s20+$0x14000] =	vst v1;
	v1 =	vadd.f32 v52, v50  }
0x116: {  	[tilespmem:s8+$0x14080] =	vst v57;
	v4 =	vadd.f32 v7, v4;
	v59 =	vld [tilespmem:s23+$0x4000]  }
0x117: {  	v60 =	vadd.f32 v34, v33;
	[tilespmem:s20+$0x14080] =	vst v1;
	v1 =	vld [tilespmem:s23+$0xC000]  }
0x118: {  	[tilespmem:s8+$0x14180] =	vst v4;
	v4 =	vadd.f32 v6, v8;
	v61 =	vld [tilespmem:s20+$0xC180]  }
0x119: {  	[tilespmem:s8+$0x14100] =	vst v60;
	v2 =	vadd.f32 v2, v0;
	v62 =	vld [tilespmem:s20+$0x4200]  }
0x11a: {  	[tilespmem:s8+$0x14200] =	vst v4;
	v6 =	vld [tilespmem:s20+$0xC200];
	v4 =	vadd.f32 v3, v5  }
0x11b: {  	v0 =	vld [tilespmem:s20+$0x4280];
	[tilespmem:s8+$0x14280] =	vst v2;
	v7 =	vadd.f32 v56, v55  }
0x11c: {  	s9 =	sor.u32 $0x300, s16;
	v3 =	vld [tilespmem:s20+$0xC280];
	[tilespmem:s0+$0x14000] =	vst v4;
	v2 =	vadd.f32 v1, v59  }
0x11d: {  	v5 =	vld [tilespmem:s9+$0xC000];
	v4 =	vadd.f32 v61, v58;
	[tilespmem:s20+$0x14100] =	vst v7  }
0x11e: {  	s29 =	simm.s32 $0x60;
	s3 =	sor.u32 $0x380, s3;
	v7 =	vadd.f32 v53, v35;
	v1 =	vld [tilespmem:s9+$0x4000];
	[tilespmem:s23+$0x14000] =	vst v2  }
0x11f: {  	s7 =	sor.u32 $0x380, s7;
	s17 =	simm.s32 $0x300;
	s8 =	sor.u32 $0x380, s16;
	v6 =	vadd.f32 v6, v62;
	[tilespmem:s20+$0x14180] =	vst v4;
	v2 =	vld [tilespmem:s3+$0x4000]  }
0x120: {  	s16 =	simm.s32 $0x4;
	s0 =	sor.u32 $0x300, s28;
	[tilespmem:s5+$0x14000] =	vst v7;
	s5 =	sor.u32 $0x380, s28;
	v4 =	vld [tilespmem:s3+$0xC000]  }
.LBB2_5:
0x121: {  	s23 =	sand.u32 $0x60, s29;
	s28 =	sand.u32 $0x3C00, s17;
	[tilespmem:s20+$0x14200] =	vst v6;
	v0 =	vadd.f32 v3, v0;
	v3 =	vld [tilespmem:s7+$0x4000]  }
0x122: {  	s23 =	sor.u32 s23, s28;
	v6 =	vld [tilespmem:s7+$0xC000]  }
0x123: {  	v7 =	vld [tilespmem:s23+$0x4010];
	[tilespmem:s20+$0x14280] =	vst v0;
	v0 =	vadd.f32 v5, v1;
	s20 =	smov.u32 s23  }
0x124: {  	v1 =	vld [tilespmem:s20+$0xC010]  }
0x125: {  	v5 =	vld [tilespmem:s20+$0x4090];
	v2 =	vadd.f32 v4, v2;
	[tilespmem:s9+$0x14000] =	vst v0;
	s9 =	smov.u32 s0  }
0x126: {  	v0 =	vld [tilespmem:s20+$0xC090]  }
0x127: {  	v4 =	vld [tilespmem:s20+$0x4110];
	[tilespmem:s3+$0x14000] =	vst v2;
	v2 =	vadd.f32 v6, v3  }
0x128: {  	v3 =	vld [tilespmem:s20+$0xC110]  }
0x129: {  	v6 =	vld [tilespmem:s20+$0x4190];
	[tilespmem:s7+$0x14000] =	vst v2;
	s7 =	smov.u32 s8;
	s8 =	smov.u32 s5  }
0x12a: {  	v2 =	vld [tilespmem:s20+$0xC190]  }
0x12b: {  	v8 =	vld [tilespmem:s20+$0x4210]  }
0x12c: {  	v9 =	vld [tilespmem:s20+$0xC210]  }
0x12d: {  	v10 =	vld [tilespmem:s20+$0x4290]  }
0x12e: {  	s16 =	sadd.s32 $0x2, s16;
	v1 =	vadd.f32 v1, v7;
	v7 =	vld [tilespmem:s20+$0xC290]  }
0x12f: {  	p2 =	slt.u32 s16, $0x7E;
	v0 =	vadd.f32 v0, v5;
	v11 =	vld [tilespmem:s20+$0x4000]  }
0x130: {  	s6 =	sadd.s32 $0x1, s6;
	v5 =	vld [tilespmem:s20+$0xC000];
	[tilespmem:s20+$0x14010] =	vst v1;
	v1 =	vadd.f32 v3, v4  }
0x131: {  	s0 =	sand.u32 $0x3, s6;
	v3 =	vld [tilespmem:s20+$0x4080];
	[tilespmem:s20+$0x14090] =	vst v0;
	v0 =	vadd.f32 v2, v6  }
0x132: {  	s0 =	sshll.u32 s0, $0x5;
	v2 =	vld [tilespmem:s20+$0xC080];
	[tilespmem:s20+$0x14110] =	vst v1;
	v1 =	vadd.f32 v9, v8  }
0x133: {  	s3 =	sadd.s32 s0, s17;
	v4 =	vld [tilespmem:s20+$0x4100];
	[tilespmem:s20+$0x14190] =	vst v0;
	v0 =	vadd.f32 v7, v10  }
0x134: {  	s0 =	sor.u32 $0x300, s3;
	s5 =	sor.u32 $0x380, s3;
	s3 =	sadd.s32 $0x10, s3;
	v6 =	vld [tilespmem:s20+$0xC100];
	[tilespmem:s20+$0x14210] =	vst v1  }
0x135: {  	s23 =	sor.u32 $0x300, s3;
	v1 =	vadd.f32 v5, v11;
	v5 =	vld [tilespmem:s20+$0x4180];
	[tilespmem:s20+$0x14290] =	vst v0  }
0x136: {  	v7 =	vld [tilespmem:s23+$0x4000]  }
0x137: {  	[tilespmem:s20+$0x14000] =	vst v1;
	v0 =	vadd.f32 v2, v3;
	v1 =	vld [tilespmem:s23+$0xC000]  }
0x138: {  	v2 =	vld [tilespmem:s20+$0xC180]  }
0x139: {  	[tilespmem:s20+$0x14080] =	vst v0;
	v0 =	vadd.f32 v6, v4;
	v4 =	vld [tilespmem:s20+$0x4200]  }
0x13a: {  	v6 =	vld [tilespmem:s20+$0xC200]  }
0x13b: {  	[tilespmem:s20+$0x14100] =	vst v0;
	v0 =	vld [tilespmem:s20+$0x4280]  }
.Ltmp1:
0x13c: {  	v3 =	vld [tilespmem:s20+$0xC280];
	v7 =	vadd.f32 v1, v7;
	(pc) =	sbr.rel @p2 .LBB2_5-.Ltmp1, $4  }
0x13d: {  	v2 =	vadd.f32 v2, v5;
	v1 =	vld [tilespmem:s9+$0x4000]  }
0x13e: {  	s3 =	sor.u32 $0x380, s3;
	[tilespmem:s23+$0x14000] =	vst v7;
	v5 =	vld [tilespmem:s9+$0xC000]  }
0x13f: {  	[tilespmem:s20+$0x14180] =	vst v2;
	v6 =	vadd.f32 v6, v4;
	v2 =	vld [tilespmem:s3+$0x4000]  }
0x140: {  	s29 =	sadd.s32 $0x20, s29;
	s17 =	sadd.s32 $0x100, s17;
	v4 =	vld [tilespmem:s3+$0xC000]  }
0x141: {  	v0 =	vadd.f32 v3, v0  }
0x142: {  	[tilespmem:s20+$0x14200] =	vst v6  }
0x143: {  	[tilespmem:s20+$0x14280] =	vst v0  }
0x144: {  	v0 =	vld [tilespmem:s0+$0x4000]  }
0x145: {  	v58 =	vld [tilespmem:s0+$0xC000];
	_ =	sdelay $0x2  }
0x146: {  	v1 =	vadd.f32 v5, v1  }
0x147: {  	v59 =	vld [tilespmem:s7+$0x4000]  }
0x148: {  	v60 =	vld [tilespmem:s7+$0xC000];
	[tilespmem:s9+$0x14000] =	vst v1;
	v0 =	vadd.f32 v58, v0  }
0x149: {  	v1 =	vld [tilespmem:s8+$0x4000]  }
0x14a: {  	v61 =	vld [tilespmem:s8+$0xC000];
	[tilespmem:s0+$0x14000] =	vst v0  }
0x14b: {  	v0 =	vld [tilespmem:s5+$0x4000]  }
0x14c: {  	v7 =	vld [tilespmem:s5+$0xC000];
	_ =	sdelay $0x1  }
0x14d: {  	v2 =	vadd.f32 v4, v2  }
0x14e: {  	v62 =	vadd.f32 v60, v59  }
0x14f: {  	[tilespmem:s3+$0x14000] =	vst v2;
	v1 =	vadd.f32 v61, v1;
	s0 =	sadd.s32 @!p0 s18, s15  }
0x150: {  	[tilespmem:s7+$0x14000] =	vst v62;
	s0 =	sshll.u32 @!p0 s0, $0xC;
	v0 =	vadd.f32 v7, v0  }
0x151: {  	[tilespmem:s8+$0x14000] =	vst v1;
	s0 =	sor.u32 @!p0 $0x800, s0  }
0x152: {  	s6 =	simm.s32 @!p0 $0x4000;
	s3 =	sadd.s32 @!p0 s1, s0;
	[tilespmem:s5+$0x14000] =	vst v0;
	s5 =	simm.s32 @!p0 $0x0  }
0x153: {  	[tilespmem:s6], [sflag:$0x2] =	stream.linear.gather @!p0 [hbm4b:s3+s5], $0x4000, $0x38;
	v63 =	vld [tilespmem:$0x0]  }
0x154: {  	s18 =	sadd.s32 $0x1, s18;
	s0 =	sadd.s32 @!p0 s2, s0;
	s3 =	simm.s32 @!p0 $0xC000  }
0x155: {  	[tilespmem:s3], [sflag:$0x4] =	stream.linear.gather @!p0 [hbm4b:s0+s5], $0x4000, $0x38;
	v63 =	vld [tilespmem:$0x0]  }
0x156: {  	p0 =	sne.s32 s18, $0x20  }
.Ltmp2:
0x157: {  	_ = 	snop;
	(pc) =	sbr.rel @p0 .LBB2_2-.Ltmp2, $4  }
0x158: {  	_ =	swait.ge @p1 [sflag:s31], $0x800  }
0x159: {  	[sflag:s31] =	ssyncset.done @p1 $0x0  }
0x15a: {  	s29 =	simm.s32 $0x14000;
	[sflag:s31] =	ssyncadd.s32 @p1 $0xFFFFF800  }
0x15b: {  	[spmem:s10] =	stream.linear.scatter [tilespmem:s29], [sflag:$0x6], $0x4000, $0x38;
	v63 =	vld [tilespmem:$0x0]  }
0x15c: {  	s0 =	simm.s32 $0x6  }
0x15d: {  	_ =	swait.ge [sflag:s0], $0x4000  }
0x15e: {  	s23 =	sor.u32 $0x1C08, s19;
	[sflag:s0] =	ssyncset.done $0x0  }
0x15f: {  	s3 =	sshrl.u32 s10, $0x3;
	s5 =	rddreg [dreg:$0xa];
	[sflag:s0] =	ssyncadd.s32 $0xFFFFC000  }
0x160: {  	[hbm:s5], [sflag:s23] =	dma.local [spmem:s3], $0x800  }
0x161: {  	_ =	swait.ge [sflag:s30], $0x800  }
0x162: {  	[sflag:s30] =	ssyncset.done $0x0  }
0x163: {  	[sflag:s30] =	ssyncadd.s32 $0xFFFFF800  }
0x164: {  	_ =	swait.ge [sflag:s31], $0x800  }
0x165: {  	s28 =	rddreg [dreg:$0xc]  }
0x166: {  	s29 =	rddreg [dreg:$0xb];
	s3 =	sadd.s32 $0x1, s28  }
0x167: {  	p0 =	sne.s32 s3, s29  }
.Ltmp3:
0x168: {  	_ = 	snop;
	(pc) =	sbr.rel @p0 .LBB2_1-.Ltmp3, $3  }
0x169: {  	_ =	sdelay $0x1  }
0x16a: {  	[sflag:s31] =	ssyncset.done $0x0  }
0x16b: {  	[sflag:s31] =	ssyncadd.s32 $0xFFFFF800  }
0x16c: {  	_ =	sfence.sel $0x180000  }
0x16d: {  	[bflag:$0x0] =	sbarrier.arrive $0xFFFF  }
0x16e: {  	_ =	strace $0x90000047  }
0x16f: {  	[bflag:$0x2] =	sbarrier.arrive $0xFFFF  }
0x170: {  	p0 =	sne.s32 s4, $0x0;
	s0 =	rddreg [dreg:$0x5]  }
0x171: {  	s0 =	sadd.s32 @!p0 $0x100000, s0  }
0x172: {  	[sflag:s0] =	ssyncadd.tile.s32 @!p0 $0x1;
	_ =	shalt  }
.Lfunc_end2:
_tile_overlayer_lowered:
.L_overlay_start_2:
0x173: {  	(tag) =	ssettag $0x2  }
0x174: {  	s0 =	rddreg [dreg:$0x0];
	s2 =	stileid.u32  }
0x175: {  	s1 =	rddreg [dreg:$0x1];
	p0 =	sne.s32 s2, $0x0  }
0x176: {  	s3 =	rddreg [dreg:$0x2];
	[bflag:$0x3] =	sbarrier.arrive $0xFFFF;
	s2 =	simm.s32 @!p0 $0x1C09  }
0x177: {  	[timem:s3], [sflag:s2] =	dma.local @!p0 [hbm:s0], s1  }
0x178: {  	s0 =	simm.s32 @!p0 $0x9  }
0x179: {  	_ =	swait.ge @!p0 [sflag:s0], s1  }
0x17a: {  	s1 =	ssub.s32 @!p0 $0x0, s1;
	[sflag:s0] =	ssyncset.done @!p0 $0x0  }
0x17b: {  	[sflag:s0] =	ssyncadd.s32 @!p0 s1  }
0x17c: {  	[bflag:$0x3] =	sbarrier.arrive $0xFFFF  }
0x17d: {  	_ =	shalt  }

</sc_bundles>
